<compile_context>
chip_gen: v7x
topology: tpu7x:2x2x1
jax: 0.10.2.dev20260603
libtpu: 0.0.44.dev20260713+nightly
codegen_flags: <defaults>
</compile_context>

<pallas_src>
import jax
import jax.numpy as jnp
from jax import lax
from jax.experimental import pallas as pl
from jax.experimental.pallas import tpu as pltpu
from jax.experimental.pallas import tpu_sc as plsc

_B, _C, _H, _W = 8, 96, 224, 224
_R = _B * _C
_N = _H * _W
_K = int(_N * 1.5 / 100)
_NC, _NS, _L = 2, 16, 16
_NW = _NC * _NS
_RPW = _R // _NW
_NV = _N // _L
_NBINS = 256
_NCH = _NBINS // _L
_HLEN = _NBINS * _L
_SW = 16
_PADV = 8
_IMIN = -(2 ** 31)


def _ukey_of(b):
    return b ^ ((b >> 31) | jnp.int32(_IMIN))


def _bits_of_ukey(v):
    return v ^ ((~(v >> 31)) | jnp.int32(_IMIN))


def _row_stats_body(x_hbm, out_hbm, xbuf, cand, hist, tots, stats, dsem):
    wid = lax.axis_index("s") * _NC + lax.axis_index("c")
    lanes = lax.iota(jnp.int32, _L)
    zeros_f = jnp.zeros((_L,), jnp.float32)
    zeros_i = jnp.zeros((_L,), jnp.int32)
    zeros_u = jnp.zeros((_L,), jnp.uint32)
    ones_i = jnp.ones((_L,), jnp.int32)

    @plsc.parallel_loop(0, _HLEN // _L, unroll=4)
    def _clr(i):
        hist[pl.ds(i * _L, _L)] = zeros_i

    def _compact(ug):
        ugv = jnp.full((_L,), ug, jnp.uint32)

        @plsc.parallel_loop(0, _NV, unroll=16,
                            carry=(jnp.int32(0), zeros_f, zeros_f))
        def _cp(i, carry):
            base, s, q = carry
            xv = xbuf[pl.ds(i * _L, _L)]
            b = plsc.bitcast(xv, jnp.int32)
            uk = plsc.bitcast(_ukey_of(b), jnp.uint32)
            m = uk >= ugv
            plsc.store_compressed(cand.at[pl.ds(base, _L)], uk, mask=m)
            base = base + jnp.sum(m.astype(jnp.int32))
            return (base, s + xv, q + xv * xv)

        return _cp

    def _row(r, ug):
        row = wid * _RPW + r
        pltpu.make_async_copy(x_hbm.at[row], xbuf, dsem).wait()

        base, s_acc, q_acc = _compact(ug)

        def _fallback(arg):
            @plsc.parallel_loop(0, _NV, unroll=8)
            def _ph(i):
                xv = xbuf[pl.ds(i * _L, _L)]
                b = plsc.bitcast(xv, jnp.int32)
                uk = plsc.bitcast(_ukey_of(b), jnp.uint32)
                bin0 = (uk >> 24).astype(jnp.int32)
                plsc.addupdate_scatter(hist, [bin0 * _L + lanes], ones_i)

            def _tc(c, cc):
                tot = zeros_i
                for j in range(_L):
                    off = (c * _L + j) * _L
                    hv = hist[pl.ds(off, _L)]
                    hist[pl.ds(off, _L)] = zeros_i
                    tot = tot + jnp.where(lanes == j, jnp.sum(hv), 0)
                tots[pl.ds(c * _L, _L)] = tot
                return cc

            lax.fori_loop(0, _NCH, _tc, 0)

            def _fb(j, carry):
                acc, b0 = carry
                c = _NCH - 1 - j
                tot = tots[pl.ds(c * _L, _L)]
                pref = plsc.cumsum(tot)
                tc = jnp.sum(tot)
                above = acc + tc - pref
                sel = (above < _K) & ((above + tot) >= _K)
                b0 = b0 + jnp.sum(sel.astype(jnp.int32) * (c * _L + lanes))
                return (acc + tc, b0)

            _, b0 = lax.fori_loop(0, _NCH, _fb, (jnp.int32(0), jnp.int32(0)))
            ug2 = b0.astype(jnp.uint32) << 24
            base2, _, _ = _compact(ug2)
            return (ug2, base2)

        def _spec_ok(arg):
            return arg

        ug_eff, m_cnt = lax.cond(base < _K, _fallback, _spec_ok, (ug, base))

        @pl.when(r + 1 < _RPW)
        def _prefetch():
            pltpu.async_copy(x_hbm.at[row + 1], xbuf, dsem)

        for u in range(_PADV):
            cand[pl.ds(m_cnt + u * _L, _L)] = zeros_u

        nvc = ((m_cnt + _L - 1) // _L + 7) & ~7

        def _count_ge(tt):
            ttv = jnp.full((_L,), tt, jnp.uint32)

            @plsc.parallel_loop(0, nvc, unroll=8, carry=zeros_i)
            def _cb(v, a):
                kv = cand[pl.ds(v * _L, _L)]
                return a + (kv >= ttv).astype(jnp.int32)

            return jnp.sum(_cb)

        cnt_hi = _count_ge(ug_eff + jnp.uint32(1 << 24))
        confirmed = cnt_hi < _K
        start_it = jnp.where(confirmed, jnp.int32(8), jnp.int32(0))
        t0 = jnp.where(confirmed, ug_eff, jnp.uint32(0))

        def _bs(it, t):
            bit = jnp.uint32(0x80000000) >> it.astype(jnp.uint32)
            tt = t | bit
            cnt = _count_ge(tt)
            return jnp.where(cnt >= _K, tt, t)

        t_key = lax.fori_loop(start_it, 32, _bs, t0)
        tkv = jnp.full((_L,), t_key, jnp.uint32)

        @plsc.parallel_loop(0, nvc, unroll=4, carry=(zeros_f, zeros_i))
        def _fin(v, carry):
            sv, cv = carry
            kv = cand[pl.ds(v * _L, _L)]
            m = kv > tkv
            xv = plsc.bitcast(_bits_of_ukey(plsc.bitcast(kv, jnp.int32)),
                              jnp.float32)
            sv = sv + jnp.where(m, xv, 0.0)
            cv = cv + m.astype(jnp.int32)
            return (sv, cv)

        sv, cv = _fin
        sum_gt = jnp.sum(sv)
        cnt_gt = jnp.sum(cv)
        tval_v = plsc.bitcast(_bits_of_ukey(plsc.bitcast(tkv, jnp.int32)),
                              jnp.float32)
        tval = jnp.sum(jnp.where(lanes == 0, tval_v, 0.0))
        topk_sum = sum_gt + (_K - cnt_gt).astype(jnp.float32) * tval

        vec = (jnp.where(lanes == 0, jnp.sum(s_acc), 0.0)
               + jnp.where(lanes == 1, jnp.sum(q_acc), 0.0)
               + jnp.where(lanes == 2, topk_sum, 0.0))
        stats[pl.ds(r * _SW, _SW)] = vec
        return t_key & jnp.uint32(0xFF000000)

    pltpu.async_copy(x_hbm.at[wid * _RPW], xbuf, dsem)
    lax.fori_loop(0, _RPW, _row, jnp.uint32(0xFFFFFFFF))
    pltpu.sync_copy(stats, out_hbm.at[pl.ds(wid * _RPW * _SW, _RPW * _SW)])


_row_stats = pl.kernel(
    _row_stats_body,
    out_type=jax.ShapeDtypeStruct((_R * _SW,), jnp.float32),
    mesh=plsc.VectorSubcoreMesh(
        core_axis_name="c", subcore_axis_name="s",
        num_cores=_NC, num_subcores=_NS),
    scratch_types=[
        pltpu.VMEM((_N,), jnp.float32),
        pltpu.VMEM((_N + _PADV * _L,), jnp.uint32),
        pltpu.VMEM((_HLEN,), jnp.int32),
        pltpu.VMEM((_NBINS,), jnp.int32),
        pltpu.VMEM((_RPW * _SW,), jnp.float32),
        pltpu.SemaphoreType.DMA,
    ],
    compiler_params=pltpu.CompilerParams(needs_layout_passes=False),
)


def _combine_body(st_ref, o_ref):
    st = st_ref[...]
    s = st[:, 0:1]
    q = st[:, 1:2]
    t = st[:, 2:3]
    m = t * (1.0 / _K)
    per = q - 2.0 * (m * s) + _N * (m * m)
    o_ref[...] = (jnp.sum(per) * (1.0 / (_R * _N))).reshape(1, 1)


@jax.jit
def kernel(x):
    xf = x.reshape(_R, _N)
    stats = _row_stats(xf)
    st = stats.reshape(_R, _SW)
    mse = pl.pallas_call(
        _combine_body,
        out_shape=jax.ShapeDtypeStruct((1, 1), jnp.float32),
    )(st)
    return mse[0, 0]

# --- scband reference (transcript-rebuilt; emitter-appended) ---
"""Pipeline reference for scband-l-reg-47278999994676 (READ-ONLY COPY).

The authoritative reference and input builder live on the scoring server;
editing this copy changes nothing except your own understanding.
"""

import jax, jax.numpy as jnp
import numpy as np


def setup_inputs(seed: int = 0) -> dict:
    key = jax.random.key(seed)
    x = jax.random.normal(key, (8, 96, 224, 224), dtype=jnp.float32)
    return {"x": x}


def reference(x):
    B, C = x.shape[0], x.shape[1]
    flat = x.reshape(B, C, -1)
    # torch.sort(..., descending=True)
    sorted_tensor = jnp.sort(flat, axis=-1)[..., ::-1]
    top_k_index = int(sorted_tensor.shape[-1] * 1.5 / 100)
    top_k_values = sorted_tensor[:, :, :top_k_index]
    mean_values = jnp.mean(top_k_values, axis=-1, keepdims=True)  # [B, C, 1]
    mean_values = mean_values[..., None]                          # [B, C, 1, 1]
    A = jnp.broadcast_to(mean_values, x.shape)
    return jnp.mean((x - A) ** 2)

if __name__ == "__main__":
    import jax
    _d = setup_inputs()
    print(jax.jit(kernel)(*tuple(_d.values())))

</pallas_src>

<mosaic_0001>
#map = affine_map<(d0, d1) -> (0, 0)>
#map1 = affine_map<(d0, d1) -> (0)>
module attributes {stable_mosaic.version = 14 : i64} {
  func.func @_row_stats_body(%arg0: i32, %arg1: i32, %arg2: memref<768x50176xf32, #tpu.memory_space<hbm>>, %arg3: memref<12288xf32, #tpu.memory_space<hbm>>, %arg4: memref<50176xf32, #tpu.memory_space<vmem>>, %arg5: memref<50304xi32, #tpu.memory_space<vmem>>, %arg6: memref<4096xi32, #tpu.memory_space<vmem>>, %arg7: memref<256xi32, #tpu.memory_space<vmem>>, %arg8: memref<384xf32, #tpu.memory_space<vmem>>, %arg9: memref<!tpu.dma_semaphore, #tpu.memory_space<semaphore_mem>>) attributes {dimension_semantics = [#tpu.dimension_semantics<core_parallel>, #tpu.dimension_semantics<subcore_parallel>], iteration_bounds = array<i64: 2, 16>, scalar_prefetch = 0 : i64, scratch_operands = 6 : i64, tpu.core_type = #tpu.core_type<sc_vector_subcore>, window_params = [{transform_indices = #map}, {transform_indices = #map1}]} {
    %mul3A = arith.constant 2 : i32
    %mul3A_0 = arith.muli %arg1, %mul3A : i32
    %add3A = arith.addi %mul3A_0, %arg0 : i32
    %iota3A = tpu.iota {dimensions = array<i32: 0>} : vector<16xi32>
    %broadcast_in_dim3A = arith.constant 0.000000e+00 : f32
    %broadcast_in_dim3A_1 = vector.broadcast %broadcast_in_dim3A : f32 to vector<16xf32>
    %broadcast_in_dim3A_2 = arith.constant 0 : i32
    %broadcast_in_dim3A_3 = vector.broadcast %broadcast_in_dim3A_2 : i32 to vector<16xi32>
    %broadcast_in_dim3A_4 = arith.constant 0 : i32
    %broadcast_in_dim3A_5 = vector.broadcast %broadcast_in_dim3A_4 : i32 to vector<16xi32>
    %broadcast_in_dim3A_6 = arith.constant 1 : i32
    %broadcast_in_dim3A_7 = vector.broadcast %broadcast_in_dim3A_6 : i32 to vector<16xi32>
    %parallel_loop3A = arith.constant 0 : i32
    %parallel_loop3A_8 = arith.constant 256 : i32
    %parallel_loop3A_9 = arith.constant 1 : i32
    scf.for %parallel_loop3A_27 = %parallel_loop3A to %parallel_loop3A_8 step %parallel_loop3A_9  : i32 {
      %parallel_loop3A_28 = arith.constant 16 : i32
      %parallel_loop3A_29 = arith.muli %parallel_loop3A_27, %parallel_loop3A_28 : i32
      %parallel_loop3A_30 = arith.index_cast %parallel_loop3A_29 : i32 to index
      %parallel_loop3A_31 = tpu.vector_load %arg6[%parallel_loop3A_30] {strides = array<i32>} : memref<4096xi32, #tpu.memory_space<vmem>>, vector<16xi32>,
      tpu.vector_store %arg6[%parallel_loop3A_30], %broadcast_in_dim3A_3 {strides = array<i32>} : memref<4096xi32, #tpu.memory_space<vmem>>, vector<16xi32>,
    } {sc.loop_unroll_factor = 4 : i64, sc.parallel_access}
    %mul3A_10 = arith.constant 24 : i32
    %mul3A_11 = arith.muli %add3A, %mul3A_10 : i32
    %dma_start3A = arith.constant 0 : i32
    %dma_start3A_12 = tpu.memref_slice %arg2[%mul3A_11, %dma_start3A] : memref<768x50176xf32, #tpu.memory_space<hbm>> -> memref<1x50176xf32, #tpu.memory_space<hbm>>
    %dma_start3A_13 = tpu.memref_squeeze %dma_start3A_12 : memref<1x50176xf32, #tpu.memory_space<hbm>> -> memref<50176xf32, #tpu.memory_space<hbm>>
    %dma_start3A_14 = arith.constant 0 : i32
    %dma_start3A_15 = tpu.memref_slice %arg2[%mul3A_11, %dma_start3A_14] : memref<768x50176xf32, #tpu.memory_space<hbm>> -> memref<1x50176xf32, #tpu.memory_space<hbm>>
    %dma_start3A_16 = tpu.memref_squeeze %dma_start3A_15 : memref<1x50176xf32, #tpu.memory_space<hbm>> -> memref<50176xf32, #tpu.memory_space<hbm>>
    tpu.enqueue_dma source(%dma_start3A_16 : memref<50176xf32, #tpu.memory_space<hbm>>) target(%arg4 : memref<50176xf32, #tpu.memory_space<vmem>>) target_semaphore(%arg9 : memref<!tpu.dma_semaphore, #tpu.memory_space<semaphore_mem>>)
    %scan3A = arith.constant -1 : i32
    %scan3A_17 = arith.constant 0 : i32
    %scan3A_18 = arith.constant 24 : i32
    %scan3A_19 = arith.addi %scan3A_17, %scan3A_18 : i32
    %scan3A_20 = arith.constant 1 : i32
    %scan3A_21 = scf.for %scan3A_27 = %scan3A_17 to %scan3A_19 step %scan3A_20 iter_args(%scan3A_28 = %scan3A) -> (i32)  : i32 {
      %mul3A_29 = arith.constant 24 : i32
      %mul3A_30 = arith.muli %add3A, %mul3A_29 : i32
      %add3A_31 = arith.addi %mul3A_30, %scan3A_27 : i32
      %dma_wait3A = arith.constant 0 : i32
      %dma_wait3A_32 = tpu.memref_slice %arg2[%add3A_31, %dma_wait3A] : memref<768x50176xf32, #tpu.memory_space<hbm>> -> memref<1x50176xf32, #tpu.memory_space<hbm>>
      %dma_wait3A_33 = tpu.memref_squeeze %dma_wait3A_32 : memref<1x50176xf32, #tpu.memory_space<hbm>> -> memref<50176xf32, #tpu.memory_space<hbm>>
      %dma_wait3A_34 = arith.constant 0 : i32
      %dma_wait3A_35 = tpu.memref_slice %arg2[%add3A_31, %dma_wait3A_34] : memref<768x50176xf32, #tpu.memory_space<hbm>> -> memref<1x50176xf32, #tpu.memory_space<hbm>>
      %dma_wait3A_36 = tpu.memref_squeeze %dma_wait3A_35 : memref<1x50176xf32, #tpu.memory_space<hbm>> -> memref<50176xf32, #tpu.memory_space<hbm>>
      tpu.wait_dma2 semaphore(%arg9 : memref<!tpu.dma_semaphore, #tpu.memory_space<semaphore_mem>>) src(%dma_wait3A_36 : memref<50176xf32, #tpu.memory_space<hbm>>) dst(%arg4 : memref<50176xf32, #tpu.memory_space<vmem>>)
      %broadcast_in_dim3A_37 = vector.broadcast %scan3A_28 : i32 to vector<16xi32>
      %parallel_loop3A_38 = arith.constant 0 : i32
      %parallel_loop3A_39 = arith.constant 3136 : i32
      %parallel_loop3A_40 = arith.constant 1 : i32
      %parallel_loop3A_41 = arith.constant 0 : i32
      %parallel_loop3A_42:3 = scf.for %parallel_loop3A_203 = %parallel_loop3A_38 to %parallel_loop3A_39 step %parallel_loop3A_40 iter_args(%parallel_loop3A_204 = %parallel_loop3A_41, %parallel_loop3A_205 = %broadcast_in_dim3A_1, %parallel_loop3A_206 = %broadcast_in_dim3A_1) -> (i32, vector<16xf32>, vector<16xf32>)  : i32 {
        %parallel_loop3A_207 = arith.constant 16 : i32
        %parallel_loop3A_208 = arith.muli %parallel_loop3A_203, %parallel_loop3A_207 : i32
        %parallel_loop3A_209 = arith.index_cast %parallel_loop3A_208 : i32 to index
        %parallel_loop3A_210 = tpu.vector_load %arg4[%parallel_loop3A_209] {strides = array<i32>} : memref<50176xf32, #tpu.memory_space<vmem>>, vector<16xf32>,
        %parallel_loop3A_211 = vector.bitcast %parallel_loop3A_210 : vector<16xf32> to vector<16xi32>
        %parallel_loop3A_212 = arith.constant 31 : i32
        %parallel_loop3A_213 = vector.broadcast %parallel_loop3A_212 : i32 to vector<16xi32>
        %parallel_loop3A_214 = arith.shrsi %parallel_loop3A_211, %parallel_loop3A_213 : vector<16xi32>
        %parallel_loop3A_215 = arith.constant -2147483648 : i32
        %parallel_loop3A_216 = vector.broadcast %parallel_loop3A_215 : i32 to vector<16xi32>
        %parallel_loop3A_217 = arith.ori %parallel_loop3A_214, %parallel_loop3A_216 : vector<16xi32>
        %parallel_loop3A_218 = arith.xori %parallel_loop3A_211, %parallel_loop3A_217 : vector<16xi32>
        %parallel_loop3A_219 = vector.bitcast %parallel_loop3A_218 : vector<16xi32> to vector<16xi32>
        %parallel_loop3A_220 = arith.cmpi uge, %parallel_loop3A_219, %broadcast_in_dim3A_37 : vector<16xi32>
        %parallel_loop3A_221 = arith.index_cast %parallel_loop3A_204 : i32 to index
        %parallel_loop3A_222 = tpu.vector_load %arg5[%parallel_loop3A_221] masked %parallel_loop3A_220 {strides = array<i32>} : memref<50304xi32, #tpu.memory_space<vmem>>, vector<16xi32>, vector<16xi1>
        tpu.vector_store %arg5[%parallel_loop3A_221], %parallel_loop3A_219 masked %parallel_loop3A_220 {strides = array<i32>} : memref<50304xi32, #tpu.memory_space<vmem>>, vector<16xi32>, vector<16xi1>
        %parallel_loop3A_223 = arith.extui %parallel_loop3A_220 : vector<16xi1> to vector<16xi32>
        %parallel_loop3A_224 = arith.constant true
        %parallel_loop3A_225 = vector.broadcast %parallel_loop3A_224 : i1 to vector<16xi1>
        %parallel_loop3A_226 = tpu.scan <sum>, %parallel_loop3A_223 masked %parallel_loop3A_225 : vector<16xi32>, vector<16xi1> -> vector<16xi32>
        %parallel_loop3A_227 = vector.extract %parallel_loop3A_226[15] : i32 from vector<16xi32>
        %parallel_loop3A_228 = arith.addi %parallel_loop3A_204, %parallel_loop3A_227 : i32
        %parallel_loop3A_229 = arith.addf %parallel_loop3A_205, %parallel_loop3A_210 : vector<16xf32>
        %parallel_loop3A_230 = arith.mulf %parallel_loop3A_210, %parallel_loop3A_210 : vector<16xf32>
        %parallel_loop3A_231 = arith.addf %parallel_loop3A_206, %parallel_loop3A_230 : vector<16xf32>
        scf.yield %parallel_loop3A_228, %parallel_loop3A_229, %parallel_loop3A_231 : i32, vector<16xf32>, vector<16xf32>
      } {sc.loop_unroll_factor = 16 : i64, sc.parallel_access}
      %lt3A = arith.constant 752 : i32
      %lt3A_43 = arith.cmpi slt, %parallel_loop3A_42#0, %lt3A : i32
      %convert_element_type3A = arith.extui %lt3A_43 : i1 to i32
      %cond3A = arith.constant 0 : i32
      %cond3A_44 = arith.cmpi ne, %convert_element_type3A, %cond3A : i32
      %cond3A_45:2 = scf.if %cond3A_44 -> (i32, i32) {
        %parallel_loop3A_203 = arith.constant 0 : i32
        %parallel_loop3A_204 = arith.constant 3136 : i32
        %parallel_loop3A_205 = arith.constant 1 : i32
        scf.for %parallel_loop3A_227 = %parallel_loop3A_203 to %parallel_loop3A_204 step %parallel_loop3A_205  : i32 {
          %parallel_loop3A_228 = arith.constant 16 : i32
          %parallel_loop3A_229 = arith.muli %parallel_loop3A_227, %parallel_loop3A_228 : i32
          %parallel_loop3A_230 = arith.index_cast %parallel_loop3A_229 : i32 to index
          %parallel_loop3A_231 = tpu.vector_load %arg4[%parallel_loop3A_230] {strides = array<i32>} : memref<50176xf32, #tpu.memory_space<vmem>>, vector<16xf32>,
          %parallel_loop3A_232 = vector.bitcast %parallel_loop3A_231 : vector<16xf32> to vector<16xi32>
          %parallel_loop3A_233 = arith.constant 31 : i32
          %parallel_loop3A_234 = vector.broadcast %parallel_loop3A_233 : i32 to vector<16xi32>
          %parallel_loop3A_235 = arith.shrsi %parallel_loop3A_232, %parallel_loop3A_234 : vector<16xi32>
          %parallel_loop3A_236 = arith.constant -2147483648 : i32
          %parallel_loop3A_237 = vector.broadcast %parallel_loop3A_236 : i32 to vector<16xi32>
          %parallel_loop3A_238 = arith.ori %parallel_loop3A_235, %parallel_loop3A_237 : vector<16xi32>
          %parallel_loop3A_239 = arith.xori %parallel_loop3A_232, %parallel_loop3A_238 : vector<16xi32>
          %parallel_loop3A_240 = vector.bitcast %parallel_loop3A_239 : vector<16xi32> to vector<16xi32>
          %parallel_loop3A_241 = arith.constant 24 : i32
          %parallel_loop3A_242 = vector.broadcast %parallel_loop3A_241 : i32 to vector<16xi32>
          %parallel_loop3A_243 = arith.shrui %parallel_loop3A_240, %parallel_loop3A_242 : vector<16xi32>
          %parallel_loop3A_244 = arith.constant 16 : i32
          %parallel_loop3A_245 = vector.broadcast %parallel_loop3A_244 : i32 to vector<16xi32>
          %parallel_loop3A_246 = arith.muli %parallel_loop3A_243, %parallel_loop3A_245 : vector<16xi32>
          %parallel_loop3A_247 = arith.addi %parallel_loop3A_246, %iota3A : vector<16xi32>
          tpu.vector_store_idx %arg6[%parallel_loop3A_247], %broadcast_in_dim3A_7 {add = true} : memref<4096xi32, #tpu.memory_space<vmem>>[vector<16xi32>], vector<16xi32>,
        } {sc.loop_unroll_factor = 8 : i64, sc.parallel_access}
        %scan3A_206 = arith.constant 0 : i32
        %scan3A_207 = arith.constant 0 : i32
        %scan3A_208 = arith.constant 16 : i32
        %scan3A_209 = arith.addi %scan3A_207, %scan3A_208 : i32
        %scan3A_210 = arith.constant 1 : i32
        scf.for %scan3A_227 = %scan3A_207 to %scan3A_209 step %scan3A_210  : i32 {
          %mul3A_228 = arith.constant 16 : i32
          %mul3A_229 = arith.muli %scan3A_227, %mul3A_228 : i32
          %add3A_230 = arith.constant 0 : i32
          %add3A_231 = arith.addi %mul3A_229, %add3A_230 : i32
          %mul3A_232 = arith.constant 16 : i32
          %mul3A_233 = arith.muli %add3A_231, %mul3A_232 : i32
          %get3A = arith.index_cast %mul3A_233 : i32 to index
          %get3A_234 = tpu.vector_load %arg6[%get3A] {strides = array<i32>} : memref<4096xi32, #tpu.memory_space<vmem>>, vector<16xi32>,
          %swap3A_235 = arith.index_cast %mul3A_233 : i32 to index
          %swap3A_236 = tpu.vector_load %arg6[%swap3A_235] {strides = array<i32>} : memref<4096xi32, #tpu.memory_space<vmem>>, vector<16xi32>,
          tpu.vector_store %arg6[%swap3A_235], %broadcast_in_dim3A_3 {strides = array<i32>} : memref<4096xi32, #tpu.memory_space<vmem>>, vector<16xi32>,
          %eq3A_237 = arith.constant 0 : i32
          %eq3A_238 = vector.broadcast %eq3A_237 : i32 to vector<16xi32>
          %eq3A_239 = arith.cmpi eq, %iota3A, %eq3A_238 : vector<16xi32>
          %reduce_sum3A_240 = arith.constant true
          %reduce_sum3A_241 = vector.broadcast %reduce_sum3A_240 : i1 to vector<16xi1>
          %reduce_sum3A_242 = tpu.scan <sum>, %get3A_234 masked %reduce_sum3A_241 : vector<16xi32>, vector<16xi1> -> vector<16xi32>
          %reduce_sum3A_243 = vector.extract %reduce_sum3A_242[15] : i32 from vector<16xi32>
          %jit3A_244 = arith.constant 0 : i32
          %broadcast_in_dim3A_245 = vector.broadcast %reduce_sum3A_243 : i32 to vector<16xi32>
          %broadcast_in_dim3A_246 = vector.broadcast %jit3A_244 : i32 to vector<16xi32>
          %select_n3A_247 = arith.select %eq3A_239, %broadcast_in_dim3A_245, %broadcast_in_dim3A_246 : vector<16xi1>, vector<16xi32>
          %add3A_248 = arith.addi %broadcast_in_dim3A_3, %select_n3A_247 : vector<16xi32>
          %mul3A_249 = arith.constant 16 : i32
          %mul3A_250 = arith.muli %scan3A_227, %mul3A_249 : i32
          %add3A_251 = arith.constant 1 : i32
          %add3A_252 = arith.addi %mul3A_250, %add3A_251 : i32
          %mul3A_253 = arith.constant 16 : i32
          %mul3A_254 = arith.muli %add3A_252, %mul3A_253 : i32
          %get3A_255 = arith.index_cast %mul3A_254 : i32 to index
          %get3A_256 = tpu.vector_load %arg6[%get3A_255] {strides = array<i32>} : memref<4096xi32, #tpu.memory_space<vmem>>, vector<16xi32>,
          %swap3A_257 = arith.index_cast %mul3A_254 : i32 to index
          %swap3A_258 = tpu.vector_load %arg6[%swap3A_257] {strides = array<i32>} : memref<4096xi32, #tpu.memory_space<vmem>>, vector<16xi32>,
          tpu.vector_store %arg6[%swap3A_257], %broadcast_in_dim3A_3 {strides = array<i32>} : memref<4096xi32, #tpu.memory_space<vmem>>, vector<16xi32>,
          %eq3A_259 = arith.constant 1 : i32
          %eq3A_260 = vector.broadcast %eq3A_259 : i32 to vector<16xi32>
          %eq3A_261 = arith.cmpi eq, %iota3A, %eq3A_260 : vector<16xi32>
          %reduce_sum3A_262 = arith.constant true
          %reduce_sum3A_263 = vector.broadcast %reduce_sum3A_262 : i1 to vector<16xi1>
          %reduce_sum3A_264 = tpu.scan <sum>, %get3A_256 masked %reduce_sum3A_263 : vector<16xi32>, vector<16xi1> -> vector<16xi32>
          %reduce_sum3A_265 = vector.extract %reduce_sum3A_264[15] : i32 from vector<16xi32>
          %jit3A_266 = arith.constant 0 : i32
          %broadcast_in_dim3A_267 = vector.broadcast %reduce_sum3A_265 : i32 to vector<16xi32>
          %broadcast_in_dim3A_268 = vector.broadcast %jit3A_266 : i32 to vector<16xi32>
          %select_n3A_269 = arith.select %eq3A_261, %broadcast_in_dim3A_267, %broadcast_in_dim3A_268 : vector<16xi1>, vector<16xi32>
          %add3A_270 = arith.addi %add3A_248, %select_n3A_269 : vector<16xi32>
          %mul3A_271 = arith.constant 16 : i32
          %mul3A_272 = arith.muli %scan3A_227, %mul3A_271 : i32
          %add3A_273 = arith.constant 2 : i32
          %add3A_274 = arith.addi %mul3A_272, %add3A_273 : i32
          %mul3A_275 = arith.constant 16 : i32
          %mul3A_276 = arith.muli %add3A_274, %mul3A_275 : i32
          %get3A_277 = arith.index_cast %mul3A_276 : i32 to index
          %get3A_278 = tpu.vector_load %arg6[%get3A_277] {strides = array<i32>} : memref<4096xi32, #tpu.memory_space<vmem>>, vector<16xi32>,
          %swap3A_279 = arith.index_cast %mul3A_276 : i32 to index
          %swap3A_280 = tpu.vector_load %arg6[%swap3A_279] {strides = array<i32>} : memref<4096xi32, #tpu.memory_space<vmem>>, vector<16xi32>,
          tpu.vector_store %arg6[%swap3A_279], %broadcast_in_dim3A_3 {strides = array<i32>} : memref<4096xi32, #tpu.memory_space<vmem>>, vector<16xi32>,
          %eq3A_281 = arith.constant 2 : i32
          %eq3A_282 = vector.broadcast %eq3A_281 : i32 to vector<16xi32>
          %eq3A_283 = arith.cmpi eq, %iota3A, %eq3A_282 : vector<16xi32>
          %reduce_sum3A_284 = arith.constant true
          %reduce_sum3A_285 = vector.broadcast %reduce_sum3A_284 : i1 to vector<16xi1>
          %reduce_sum3A_286 = tpu.scan <sum>, %get3A_278 masked %reduce_sum3A_285 : vector<16xi32>, vector<16xi1> -> vector<16xi32>
          %reduce_sum3A_287 = vector.extract %reduce_sum3A_286[15] : i32 from vector<16xi32>
          %jit3A_288 = arith.constant 0 : i32
          %broadcast_in_dim3A_289 = vector.broadcast %reduce_sum3A_287 : i32 to vector<16xi32>
          %broadcast_in_dim3A_290 = vector.broadcast %jit3A_288 : i32 to vector<16xi32>
          %select_n3A_291 = arith.select %eq3A_283, %broadcast_in_dim3A_289, %broadcast_in_dim3A_290 : vector<16xi1>, vector<16xi32>
          %add3A_292 = arith.addi %add3A_270, %select_n3A_291 : vector<16xi32>
          %mul3A_293 = arith.constant 16 : i32
          %mul3A_294 = arith.muli %scan3A_227, %mul3A_293 : i32
          %add3A_295 = arith.constant 3 : i32
          %add3A_296 = arith.addi %mul3A_294, %add3A_295 : i32
          %mul3A_297 = arith.constant 16 : i32
          %mul3A_298 = arith.muli %add3A_296, %mul3A_297 : i32
          %get3A_299 = arith.index_cast %mul3A_298 : i32 to index
          %get3A_300 = tpu.vector_load %arg6[%get3A_299] {strides = array<i32>} : memref<4096xi32, #tpu.memory_space<vmem>>, vector<16xi32>,
          %swap3A_301 = arith.index_cast %mul3A_298 : i32 to index
          %swap3A_302 = tpu.vector_load %arg6[%swap3A_301] {strides = array<i32>} : memref<4096xi32, #tpu.memory_space<vmem>>, vector<16xi32>,
          tpu.vector_store %arg6[%swap3A_301], %broadcast_in_dim3A_3 {strides = array<i32>} : memref<4096xi32, #tpu.memory_space<vmem>>, vector<16xi32>,
          %eq3A_303 = arith.constant 3 : i32
          %eq3A_304 = vector.broadcast %eq3A_303 : i32 to vector<16xi32>
          %eq3A_305 = arith.cmpi eq, %iota3A, %eq3A_304 : vector<16xi32>
          %reduce_sum3A_306 = arith.constant true
          %reduce_sum3A_307 = vector.broadcast %reduce_sum3A_306 : i1 to vector<16xi1>
          %reduce_sum3A_308 = tpu.scan <sum>, %get3A_300 masked %reduce_sum3A_307 : vector<16xi32>, vector<16xi1> -> vector<16xi32>
          %reduce_sum3A_309 = vector.extract %reduce_sum3A_308[15] : i32 from vector<16xi32>
          %jit3A_310 = arith.constant 0 : i32
          %broadcast_in_dim3A_311 = vector.broadcast %reduce_sum3A_309 : i32 to vector<16xi32>
          %broadcast_in_dim3A_312 = vector.broadcast %jit3A_310 : i32 to vector<16xi32>
          %select_n3A_313 = arith.select %eq3A_305, %broadcast_in_dim3A_311, %broadcast_in_dim3A_312 : vector<16xi1>, vector<16xi32>
          %add3A_314 = arith.addi %add3A_292, %select_n3A_313 : vector<16xi32>
          %mul3A_315 = arith.constant 16 : i32
          %mul3A_316 = arith.muli %scan3A_227, %mul3A_315 : i32
          %add3A_317 = arith.constant 4 : i32
          %add3A_318 = arith.addi %mul3A_316, %add3A_317 : i32
          %mul3A_319 = arith.constant 16 : i32
          %mul3A_320 = arith.muli %add3A_318, %mul3A_319 : i32
          %get3A_321 = arith.index_cast %mul3A_320 : i32 to index
          %get3A_322 = tpu.vector_load %arg6[%get3A_321] {strides = array<i32>} : memref<4096xi32, #tpu.memory_space<vmem>>, vector<16xi32>,
          %swap3A_323 = arith.index_cast %mul3A_320 : i32 to index
          %swap3A_324 = tpu.vector_load %arg6[%swap3A_323] {strides = array<i32>} : memref<4096xi32, #tpu.memory_space<vmem>>, vector<16xi32>,
          tpu.vector_store %arg6[%swap3A_323], %broadcast_in_dim3A_3 {strides = array<i32>} : memref<4096xi32, #tpu.memory_space<vmem>>, vector<16xi32>,
          %eq3A_325 = arith.constant 4 : i32
          %eq3A_326 = vector.broadcast %eq3A_325 : i32 to vector<16xi32>
          %eq3A_327 = arith.cmpi eq, %iota3A, %eq3A_326 : vector<16xi32>
          %reduce_sum3A_328 = arith.constant true
          %reduce_sum3A_329 = vector.broadcast %reduce_sum3A_328 : i1 to vector<16xi1>
          %reduce_sum3A_330 = tpu.scan <sum>, %get3A_322 masked %reduce_sum3A_329 : vector<16xi32>, vector<16xi1> -> vector<16xi32>
          %reduce_sum3A_331 = vector.extract %reduce_sum3A_330[15] : i32 from vector<16xi32>
          %jit3A_332 = arith.constant 0 : i32
          %broadcast_in_dim3A_333 = vector.broadcast %reduce_sum3A_331 : i32 to vector<16xi32>
          %broadcast_in_dim3A_334 = vector.broadcast %jit3A_332 : i32 to vector<16xi32>
          %select_n3A_335 = arith.select %eq3A_327, %broadcast_in_dim3A_333, %broadcast_in_dim3A_334 : vector<16xi1>, vector<16xi32>
          %add3A_336 = arith.addi %add3A_314, %select_n3A_335 : vector<16xi32>
          %mul3A_337 = arith.constant 16 : i32
          %mul3A_338 = arith.muli %scan3A_227, %mul3A_337 : i32
          %add3A_339 = arith.constant 5 : i32
          %add3A_340 = arith.addi %mul3A_338, %add3A_339 : i32
          %mul3A_341 = arith.constant 16 : i32
          %mul3A_342 = arith.muli %add3A_340, %mul3A_341 : i32
          %get3A_343 = arith.index_cast %mul3A_342 : i32 to index
          %get3A_344 = tpu.vector_load %arg6[%get3A_343] {strides = array<i32>} : memref<4096xi32, #tpu.memory_space<vmem>>, vector<16xi32>,
          %swap3A_345 = arith.index_cast %mul3A_342 : i32 to index
          %swap3A_346 = tpu.vector_load %arg6[%swap3A_345] {strides = array<i32>} : memref<4096xi32, #tpu.memory_space<vmem>>, vector<16xi32>,
          tpu.vector_store %arg6[%swap3A_345], %broadcast_in_dim3A_3 {strides = array<i32>} : memref<4096xi32, #tpu.memory_space<vmem>>, vector<16xi32>,
          %eq3A_347 = arith.constant 5 : i32
          %eq3A_348 = vector.broadcast %eq3A_347 : i32 to vector<16xi32>
          %eq3A_349 = arith.cmpi eq, %iota3A, %eq3A_348 : vector<16xi32>
          %reduce_sum3A_350 = arith.constant true
          %reduce_sum3A_351 = vector.broadcast %reduce_sum3A_350 : i1 to vector<16xi1>
          %reduce_sum3A_352 = tpu.scan <sum>, %get3A_344 masked %reduce_sum3A_351 : vector<16xi32>, vector<16xi1> -> vector<16xi32>
          %reduce_sum3A_353 = vector.extract %reduce_sum3A_352[15] : i32 from vector<16xi32>
          %jit3A_354 = arith.constant 0 : i32
          %broadcast_in_dim3A_355 = vector.broadcast %reduce_sum3A_353 : i32 to vector<16xi32>
          %broadcast_in_dim3A_356 = vector.broadcast %jit3A_354 : i32 to vector<16xi32>
          %select_n3A_357 = arith.select %eq3A_349, %broadcast_in_dim3A_355, %broadcast_in_dim3A_356 : vector<16xi1>, vector<16xi32>
          %add3A_358 = arith.addi %add3A_336, %select_n3A_357 : vector<16xi32>
          %mul3A_359 = arith.constant 16 : i32
          %mul3A_360 = arith.muli %scan3A_227, %mul3A_359 : i32
          %add3A_361 = arith.constant 6 : i32
          %add3A_362 = arith.addi %mul3A_360, %add3A_361 : i32
          %mul3A_363 = arith.constant 16 : i32
          %mul3A_364 = arith.muli %add3A_362, %mul3A_363 : i32
          %get3A_365 = arith.index_cast %mul3A_364 : i32 to index
          %get3A_366 = tpu.vector_load %arg6[%get3A_365] {strides = array<i32>} : memref<4096xi32, #tpu.memory_space<vmem>>, vector<16xi32>,
          %swap3A_367 = arith.index_cast %mul3A_364 : i32 to index
          %swap3A_368 = tpu.vector_load %arg6[%swap3A_367] {strides = array<i32>} : memref<4096xi32, #tpu.memory_space<vmem>>, vector<16xi32>,
          tpu.vector_store %arg6[%swap3A_367], %broadcast_in_dim3A_3 {strides = array<i32>} : memref<4096xi32, #tpu.memory_space<vmem>>, vector<16xi32>,
          %eq3A_369 = arith.constant 6 : i32
          %eq3A_370 = vector.broadcast %eq3A_369 : i32 to vector<16xi32>
          %eq3A_371 = arith.cmpi eq, %iota3A, %eq3A_370 : vector<16xi32>
          %reduce_sum3A_372 = arith.constant true
          %reduce_sum3A_373 = vector.broadcast %reduce_sum3A_372 : i1 to vector<16xi1>
          %reduce_sum3A_374 = tpu.scan <sum>, %get3A_366 masked %reduce_sum3A_373 : vector<16xi32>, vector<16xi1> -> vector<16xi32>
          %reduce_sum3A_375 = vector.extract %reduce_sum3A_374[15] : i32 from vector<16xi32>
          %jit3A_376 = arith.constant 0 : i32
          %broadcast_in_dim3A_377 = vector.broadcast %reduce_sum3A_375 : i32 to vector<16xi32>
          %broadcast_in_dim3A_378 = vector.broadcast %jit3A_376 : i32 to vector<16xi32>
          %select_n3A_379 = arith.select %eq3A_371, %broadcast_in_dim3A_377, %broadcast_in_dim3A_378 : vector<16xi1>, vector<16xi32>
          %add3A_380 = arith.addi %add3A_358, %select_n3A_379 : vector<16xi32>
          %mul3A_381 = arith.constant 16 : i32
          %mul3A_382 = arith.muli %scan3A_227, %mul3A_381 : i32
          %add3A_383 = arith.constant 7 : i32
          %add3A_384 = arith.addi %mul3A_382, %add3A_383 : i32
          %mul3A_385 = arith.constant 16 : i32
          %mul3A_386 = arith.muli %add3A_384, %mul3A_385 : i32
          %get3A_387 = arith.index_cast %mul3A_386 : i32 to index
          %get3A_388 = tpu.vector_load %arg6[%get3A_387] {strides = array<i32>} : memref<4096xi32, #tpu.memory_space<vmem>>, vector<16xi32>,
          %swap3A_389 = arith.index_cast %mul3A_386 : i32 to index
          %swap3A_390 = tpu.vector_load %arg6[%swap3A_389] {strides = array<i32>} : memref<4096xi32, #tpu.memory_space<vmem>>, vector<16xi32>,
          tpu.vector_store %arg6[%swap3A_389], %broadcast_in_dim3A_3 {strides = array<i32>} : memref<4096xi32, #tpu.memory_space<vmem>>, vector<16xi32>,
          %eq3A_391 = arith.constant 7 : i32
          %eq3A_392 = vector.broadcast %eq3A_391 : i32 to vector<16xi32>
          %eq3A_393 = arith.cmpi eq, %iota3A, %eq3A_392 : vector<16xi32>
          %reduce_sum3A_394 = arith.constant true
          %reduce_sum3A_395 = vector.broadcast %reduce_sum3A_394 : i1 to vector<16xi1>
          %reduce_sum3A_396 = tpu.scan <sum>, %get3A_388 masked %reduce_sum3A_395 : vector<16xi32>, vector<16xi1> -> vector<16xi32>
          %reduce_sum3A_397 = vector.extract %reduce_sum3A_396[15] : i32 from vector<16xi32>
          %jit3A_398 = arith.constant 0 : i32
          %broadcast_in_dim3A_399 = vector.broadcast %reduce_sum3A_397 : i32 to vector<16xi32>
          %broadcast_in_dim3A_400 = vector.broadcast %jit3A_398 : i32 to vector<16xi32>
          %select_n3A_401 = arith.select %eq3A_393, %broadcast_in_dim3A_399, %broadcast_in_dim3A_400 : vector<16xi1>, vector<16xi32>
          %add3A_402 = arith.addi %add3A_380, %select_n3A_401 : vector<16xi32>
          %mul3A_403 = arith.constant 16 : i32
          %mul3A_404 = arith.muli %scan3A_227, %mul3A_403 : i32
          %add3A_405 = arith.constant 8 : i32
          %add3A_406 = arith.addi %mul3A_404, %add3A_405 : i32
          %mul3A_407 = arith.constant 16 : i32
          %mul3A_408 = arith.muli %add3A_406, %mul3A_407 : i32
          %get3A_409 = arith.index_cast %mul3A_408 : i32 to index
          %get3A_410 = tpu.vector_load %arg6[%get3A_409] {strides = array<i32>} : memref<4096xi32, #tpu.memory_space<vmem>>, vector<16xi32>,
          %swap3A_411 = arith.index_cast %mul3A_408 : i32 to index
          %swap3A_412 = tpu.vector_load %arg6[%swap3A_411] {strides = array<i32>} : memref<4096xi32, #tpu.memory_space<vmem>>, vector<16xi32>,
          tpu.vector_store %arg6[%swap3A_411], %broadcast_in_dim3A_3 {strides = array<i32>} : memref<4096xi32, #tpu.memory_space<vmem>>, vector<16xi32>,
          %eq3A_413 = arith.constant 8 : i32
          %eq3A_414 = vector.broadcast %eq3A_413 : i32 to vector<16xi32>
          %eq3A_415 = arith.cmpi eq, %iota3A, %eq3A_414 : vector<16xi32>
          %reduce_sum3A_416 = arith.constant true
          %reduce_sum3A_417 = vector.broadcast %reduce_sum3A_416 : i1 to vector<16xi1>
          %reduce_sum3A_418 = tpu.scan <sum>, %get3A_410 masked %reduce_sum3A_417 : vector<16xi32>, vector<16xi1> -> vector<16xi32>
          %reduce_sum3A_419 = vector.extract %reduce_sum3A_418[15] : i32 from vector<16xi32>
          %jit3A_420 = arith.constant 0 : i32
          %broadcast_in_dim3A_421 = vector.broadcast %reduce_sum3A_419 : i32 to vector<16xi32>
          %broadcast_in_dim3A_422 = vector.broadcast %jit3A_420 : i32 to vector<16xi32>
          %select_n3A_423 = arith.select %eq3A_415, %broadcast_in_dim3A_421, %broadcast_in_dim3A_422 : vector<16xi1>, vector<16xi32>
          %add3A_424 = arith.addi %add3A_402, %select_n3A_423 : vector<16xi32>
          %mul3A_425 = arith.constant 16 : i32
          %mul3A_426 = arith.muli %scan3A_227, %mul3A_425 : i32
          %add3A_427 = arith.constant 9 : i32
          %add3A_428 = arith.addi %mul3A_426, %add3A_427 : i32
          %mul3A_429 = arith.constant 16 : i32
          %mul3A_430 = arith.muli %add3A_428, %mul3A_429 : i32
          %get3A_431 = arith.index_cast %mul3A_430 : i32 to index
          %get3A_432 = tpu.vector_load %arg6[%get3A_431] {strides = array<i32>} : memref<4096xi32, #tpu.memory_space<vmem>>, vector<16xi32>,
          %swap3A_433 = arith.index_cast %mul3A_430 : i32 to index
          %swap3A_434 = tpu.vector_load %arg6[%swap3A_433] {strides = array<i32>} : memref<4096xi32, #tpu.memory_space<vmem>>, vector<16xi32>,
          tpu.vector_store %arg6[%swap3A_433], %broadcast_in_dim3A_3 {strides = array<i32>} : memref<4096xi32, #tpu.memory_space<vmem>>, vector<16xi32>,
          %eq3A_435 = arith.constant 9 : i32
          %eq3A_436 = vector.broadcast %eq3A_435 : i32 to vector<16xi32>
          %eq3A_437 = arith.cmpi eq, %iota3A, %eq3A_436 : vector<16xi32>
          %reduce_sum3A_438 = arith.constant true
          %reduce_sum3A_439 = vector.broadcast %reduce_sum3A_438 : i1 to vector<16xi1>
          %reduce_sum3A_440 = tpu.scan <sum>, %get3A_432 masked %reduce_sum3A_439 : vector<16xi32>, vector<16xi1> -> vector<16xi32>
          %reduce_sum3A_441 = vector.extract %reduce_sum3A_440[15] : i32 from vector<16xi32>
          %jit3A_442 = arith.constant 0 : i32
          %broadcast_in_dim3A_443 = vector.broadcast %reduce_sum3A_441 : i32 to vector<16xi32>
          %broadcast_in_dim3A_444 = vector.broadcast %jit3A_442 : i32 to vector<16xi32>
          %select_n3A_445 = arith.select %eq3A_437, %broadcast_in_dim3A_443, %broadcast_in_dim3A_444 : vector<16xi1>, vector<16xi32>
          %add3A_446 = arith.addi %add3A_424, %select_n3A_445 : vector<16xi32>
          %mul3A_447 = arith.constant 16 : i32
          %mul3A_448 = arith.muli %scan3A_227, %mul3A_447 : i32
          %add3A_449 = arith.constant 10 : i32
          %add3A_450 = arith.addi %mul3A_448, %add3A_449 : i32
          %mul3A_451 = arith.constant 16 : i32
          %mul3A_452 = arith.muli %add3A_450, %mul3A_451 : i32
          %get3A_453 = arith.index_cast %mul3A_452 : i32 to index
          %get3A_454 = tpu.vector_load %arg6[%get3A_453] {strides = array<i32>} : memref<4096xi32, #tpu.memory_space<vmem>>, vector<16xi32>,
          %swap3A_455 = arith.index_cast %mul3A_452 : i32 to index
          %swap3A_456 = tpu.vector_load %arg6[%swap3A_455] {strides = array<i32>} : memref<4096xi32, #tpu.memory_space<vmem>>, vector<16xi32>,
          tpu.vector_store %arg6[%swap3A_455], %broadcast_in_dim3A_3 {strides = array<i32>} : memref<4096xi32, #tpu.memory_space<vmem>>, vector<16xi32>,
          %eq3A_457 = arith.constant 10 : i32
          %eq3A_458 = vector.broadcast %eq3A_457 : i32 to vector<16xi32>
          %eq3A_459 = arith.cmpi eq, %iota3A, %eq3A_458 : vector<16xi32>
          %reduce_sum3A_460 = arith.constant true
          %reduce_sum3A_461 = vector.broadcast %reduce_sum3A_460 : i1 to vector<16xi1>
          %reduce_sum3A_462 = tpu.scan <sum>, %get3A_454 masked %reduce_sum3A_461 : vector<16xi32>, vector<16xi1> -> vector<16xi32>
          %reduce_sum3A_463 = vector.extract %reduce_sum3A_462[15] : i32 from vector<16xi32>
          %jit3A_464 = arith.constant 0 : i32
          %broadcast_in_dim3A_465 = vector.broadcast %reduce_sum3A_463 : i32 to vector<16xi32>
          %broadcast_in_dim3A_466 = vector.broadcast %jit3A_464 : i32 to vector<16xi32>
          %select_n3A_467 = arith.select %eq3A_459, %broadcast_in_dim3A_465, %broadcast_in_dim3A_466 : vector<16xi1>, vector<16xi32>
          %add3A_468 = arith.addi %add3A_446, %select_n3A_467 : vector<16xi32>
          %mul3A_469 = arith.constant 16 : i32
          %mul3A_470 = arith.muli %scan3A_227, %mul3A_469 : i32
          %add3A_471 = arith.constant 11 : i32
          %add3A_472 = arith.addi %mul3A_470, %add3A_471 : i32
          %mul3A_473 = arith.constant 16 : i32
          %mul3A_474 = arith.muli %add3A_472, %mul3A_473 : i32
          %get3A_475 = arith.index_cast %mul3A_474 : i32 to index
          %get3A_476 = tpu.vector_load %arg6[%get3A_475] {strides = array<i32>} : memref<4096xi32, #tpu.memory_space<vmem>>, vector<16xi32>,
          %swap3A_477 = arith.index_cast %mul3A_474 : i32 to index
          %swap3A_478 = tpu.vector_load %arg6[%swap3A_477] {strides = array<i32>} : memref<4096xi32, #tpu.memory_space<vmem>>, vector<16xi32>,
          tpu.vector_store %arg6[%swap3A_477], %broadcast_in_dim3A_3 {strides = array<i32>} : memref<4096xi32, #tpu.memory_space<vmem>>, vector<16xi32>,
          %eq3A_479 = arith.constant 11 : i32
          %eq3A_480 = vector.broadcast %eq3A_479 : i32 to vector<16xi32>
          %eq3A_481 = arith.cmpi eq, %iota3A, %eq3A_480 : vector<16xi32>
          %reduce_sum3A_482 = arith.constant true
          %reduce_sum3A_483 = vector.broadcast %reduce_sum3A_482 : i1 to vector<16xi1>
          %reduce_sum3A_484 = tpu.scan <sum>, %get3A_476 masked %reduce_sum3A_483 : vector<16xi32>, vector<16xi1> -> vector<16xi32>
          %reduce_sum3A_485 = vector.extract %reduce_sum3A_484[15] : i32 from vector<16xi32>
          %jit3A_486 = arith.constant 0 : i32
          %broadcast_in_dim3A_487 = vector.broadcast %reduce_sum3A_485 : i32 to vector<16xi32>
          %broadcast_in_dim3A_488 = vector.broadcast %jit3A_486 : i32 to vector<16xi32>
          %select_n3A_489 = arith.select %eq3A_481, %broadcast_in_dim3A_487, %broadcast_in_dim3A_488 : vector<16xi1>, vector<16xi32>
          %add3A_490 = arith.addi %add3A_468, %select_n3A_489 : vector<16xi32>
          %mul3A_491 = arith.constant 16 : i32
          %mul3A_492 = arith.muli %scan3A_227, %mul3A_491 : i32
          %add3A_493 = arith.constant 12 : i32
          %add3A_494 = arith.addi %mul3A_492, %add3A_493 : i32
          %mul3A_495 = arith.constant 16 : i32
          %mul3A_496 = arith.muli %add3A_494, %mul3A_495 : i32
          %get3A_497 = arith.index_cast %mul3A_496 : i32 to index
          %get3A_498 = tpu.vector_load %arg6[%get3A_497] {strides = array<i32>} : memref<4096xi32, #tpu.memory_space<vmem>>, vector<16xi32>,
          %swap3A_499 = arith.index_cast %mul3A_496 : i32 to index
          %swap3A_500 = tpu.vector_load %arg6[%swap3A_499] {strides = array<i32>} : memref<4096xi32, #tpu.memory_space<vmem>>, vector<16xi32>,
          tpu.vector_store %arg6[%swap3A_499], %broadcast_in_dim3A_3 {strides = array<i32>} : memref<4096xi32, #tpu.memory_space<vmem>>, vector<16xi32>,
          %eq3A_501 = arith.constant 12 : i32
          %eq3A_502 = vector.broadcast %eq3A_501 : i32 to vector<16xi32>
          %eq3A_503 = arith.cmpi eq, %iota3A, %eq3A_502 : vector<16xi32>
          %reduce_sum3A_504 = arith.constant true
          %reduce_sum3A_505 = vector.broadcast %reduce_sum3A_504 : i1 to vector<16xi1>
          %reduce_sum3A_506 = tpu.scan <sum>, %get3A_498 masked %reduce_sum3A_505 : vector<16xi32>, vector<16xi1> -> vector<16xi32>
          %reduce_sum3A_507 = vector.extract %reduce_sum3A_506[15] : i32 from vector<16xi32>
          %jit3A_508 = arith.constant 0 : i32
          %broadcast_in_dim3A_509 = vector.broadcast %reduce_sum3A_507 : i32 to vector<16xi32>
          %broadcast_in_dim3A_510 = vector.broadcast %jit3A_508 : i32 to vector<16xi32>
          %select_n3A_511 = arith.select %eq3A_503, %broadcast_in_dim3A_509, %broadcast_in_dim3A_510 : vector<16xi1>, vector<16xi32>
          %add3A_512 = arith.addi %add3A_490, %select_n3A_511 : vector<16xi32>
          %mul3A_513 = arith.constant 16 : i32
          %mul3A_514 = arith.muli %scan3A_227, %mul3A_513 : i32
          %add3A_515 = arith.constant 13 : i32
          %add3A_516 = arith.addi %mul3A_514, %add3A_515 : i32
          %mul3A_517 = arith.constant 16 : i32
          %mul3A_518 = arith.muli %add3A_516, %mul3A_517 : i32
          %get3A_519 = arith.index_cast %mul3A_518 : i32 to index
          %get3A_520 = tpu.vector_load %arg6[%get3A_519] {strides = array<i32>} : memref<4096xi32, #tpu.memory_space<vmem>>, vector<16xi32>,
          %swap3A_521 = arith.index_cast %mul3A_518 : i32 to index
          %swap3A_522 = tpu.vector_load %arg6[%swap3A_521] {strides = array<i32>} : memref<4096xi32, #tpu.memory_space<vmem>>, vector<16xi32>,
          tpu.vector_store %arg6[%swap3A_521], %broadcast_in_dim3A_3 {strides = array<i32>} : memref<4096xi32, #tpu.memory_space<vmem>>, vector<16xi32>,
          %eq3A_523 = arith.constant 13 : i32
          %eq3A_524 = vector.broadcast %eq3A_523 : i32 to vector<16xi32>
          %eq3A_525 = arith.cmpi eq, %iota3A, %eq3A_524 : vector<16xi32>
          %reduce_sum3A_526 = arith.constant true
          %reduce_sum3A_527 = vector.broadcast %reduce_sum3A_526 : i1 to vector<16xi1>
          %reduce_sum3A_528 = tpu.scan <sum>, %get3A_520 masked %reduce_sum3A_527 : vector<16xi32>, vector<16xi1> -> vector<16xi32>
          %reduce_sum3A_529 = vector.extract %reduce_sum3A_528[15] : i32 from vector<16xi32>
          %jit3A_530 = arith.constant 0 : i32
          %broadcast_in_dim3A_531 = vector.broadcast %reduce_sum3A_529 : i32 to vector<16xi32>
          %broadcast_in_dim3A_532 = vector.broadcast %jit3A_530 : i32 to vector<16xi32>
          %select_n3A_533 = arith.select %eq3A_525, %broadcast_in_dim3A_531, %broadcast_in_dim3A_532 : vector<16xi1>, vector<16xi32>
          %add3A_534 = arith.addi %add3A_512, %select_n3A_533 : vector<16xi32>
          %mul3A_535 = arith.constant 16 : i32
          %mul3A_536 = arith.muli %scan3A_227, %mul3A_535 : i32
          %add3A_537 = arith.constant 14 : i32
          %add3A_538 = arith.addi %mul3A_536, %add3A_537 : i32
          %mul3A_539 = arith.constant 16 : i32
          %mul3A_540 = arith.muli %add3A_538, %mul3A_539 : i32
          %get3A_541 = arith.index_cast %mul3A_540 : i32 to index
          %get3A_542 = tpu.vector_load %arg6[%get3A_541] {strides = array<i32>} : memref<4096xi32, #tpu.memory_space<vmem>>, vector<16xi32>,
          %swap3A_543 = arith.index_cast %mul3A_540 : i32 to index
          %swap3A_544 = tpu.vector_load %arg6[%swap3A_543] {strides = array<i32>} : memref<4096xi32, #tpu.memory_space<vmem>>, vector<16xi32>,
          tpu.vector_store %arg6[%swap3A_543], %broadcast_in_dim3A_3 {strides = array<i32>} : memref<4096xi32, #tpu.memory_space<vmem>>, vector<16xi32>,
          %eq3A_545 = arith.constant 14 : i32
          %eq3A_546 = vector.broadcast %eq3A_545 : i32 to vector<16xi32>
          %eq3A_547 = arith.cmpi eq, %iota3A, %eq3A_546 : vector<16xi32>
          %reduce_sum3A_548 = arith.constant true
          %reduce_sum3A_549 = vector.broadcast %reduce_sum3A_548 : i1 to vector<16xi1>
          %reduce_sum3A_550 = tpu.scan <sum>, %get3A_542 masked %reduce_sum3A_549 : vector<16xi32>, vector<16xi1> -> vector<16xi32>
          %reduce_sum3A_551 = vector.extract %reduce_sum3A_550[15] : i32 from vector<16xi32>
          %jit3A_552 = arith.constant 0 : i32
          %broadcast_in_dim3A_553 = vector.broadcast %reduce_sum3A_551 : i32 to vector<16xi32>
          %broadcast_in_dim3A_554 = vector.broadcast %jit3A_552 : i32 to vector<16xi32>
          %select_n3A_555 = arith.select %eq3A_547, %broadcast_in_dim3A_553, %broadcast_in_dim3A_554 : vector<16xi1>, vector<16xi32>
          %add3A_556 = arith.addi %add3A_534, %select_n3A_555 : vector<16xi32>
          %mul3A_557 = arith.constant 16 : i32
          %mul3A_558 = arith.muli %scan3A_227, %mul3A_557 : i32
          %add3A_559 = arith.constant 15 : i32
          %add3A_560 = arith.addi %mul3A_558, %add3A_559 : i32
          %mul3A_561 = arith.constant 16 : i32
          %mul3A_562 = arith.muli %add3A_560, %mul3A_561 : i32
          %get3A_563 = arith.index_cast %mul3A_562 : i32 to index
          %get3A_564 = tpu.vector_load %arg6[%get3A_563] {strides = array<i32>} : memref<4096xi32, #tpu.memory_space<vmem>>, vector<16xi32>,
          %swap3A_565 = arith.index_cast %mul3A_562 : i32 to index
          %swap3A_566 = tpu.vector_load %arg6[%swap3A_565] {strides = array<i32>} : memref<4096xi32, #tpu.memory_space<vmem>>, vector<16xi32>,
          tpu.vector_store %arg6[%swap3A_565], %broadcast_in_dim3A_3 {strides = array<i32>} : memref<4096xi32, #tpu.memory_space<vmem>>, vector<16xi32>,
          %eq3A_567 = arith.constant 15 : i32
          %eq3A_568 = vector.broadcast %eq3A_567 : i32 to vector<16xi32>
          %eq3A_569 = arith.cmpi eq, %iota3A, %eq3A_568 : vector<16xi32>
          %reduce_sum3A_570 = arith.constant true
          %reduce_sum3A_571 = vector.broadcast %reduce_sum3A_570 : i1 to vector<16xi1>
          %reduce_sum3A_572 = tpu.scan <sum>, %get3A_564 masked %reduce_sum3A_571 : vector<16xi32>, vector<16xi1> -> vector<16xi32>
          %reduce_sum3A_573 = vector.extract %reduce_sum3A_572[15] : i32 from vector<16xi32>
          %jit3A_574 = arith.constant 0 : i32
          %broadcast_in_dim3A_575 = vector.broadcast %reduce_sum3A_573 : i32 to vector<16xi32>
          %broadcast_in_dim3A_576 = vector.broadcast %jit3A_574 : i32 to vector<16xi32>
          %select_n3A_577 = arith.select %eq3A_569, %broadcast_in_dim3A_575, %broadcast_in_dim3A_576 : vector<16xi1>, vector<16xi32>
          %add3A_578 = arith.addi %add3A_556, %select_n3A_577 : vector<16xi32>
          %mul3A_579 = arith.constant 16 : i32
          %mul3A_580 = arith.muli %scan3A_227, %mul3A_579 : i32
          %swap3A_581 = arith.index_cast %mul3A_580 : i32 to index
          %swap3A_582 = tpu.vector_load %arg7[%swap3A_581] {strides = array<i32>} : memref<256xi32, #tpu.memory_space<vmem>>, vector<16xi32>,
          tpu.vector_store %arg7[%swap3A_581], %add3A_578 {strides = array<i32>} : memref<256xi32, #tpu.memory_space<vmem>>, vector<16xi32>,
        }
        %scan3A_211 = arith.constant 16 : i32
        %scan3A_212 = arith.constant 0 : i32
        %scan3A_213 = arith.constant 0 : i32
        %scan3A_214 = arith.constant 0 : i32
        %scan3A_215 = arith.constant 16 : i32
        %scan3A_216 = arith.addi %scan3A_214, %scan3A_215 : i32
        %scan3A_217 = arith.constant 1 : i32
        %scan3A_218:2 = scf.for %scan3A_227 = %scan3A_214 to %scan3A_216 step %scan3A_217 iter_args(%scan3A_228 = %scan3A_212, %scan3A_229 = %scan3A_213) -> (i32, i32)  : i32 {
          %sub3A_230 = arith.constant 15 : i32
          %sub3A_231 = arith.subi %sub3A_230, %scan3A_227 : i32
          %mul3A_232 = arith.constant 16 : i32
          %mul3A_233 = arith.muli %sub3A_231, %mul3A_232 : i32
          %get3A = arith.index_cast %mul3A_233 : i32 to index
          %get3A_234 = tpu.vector_load %arg7[%get3A] {strides = array<i32>} : memref<256xi32, #tpu.memory_space<vmem>>, vector<16xi32>,
          %broadcast_in_dim3A_235 = arith.constant true
          %broadcast_in_dim3A_236 = vector.broadcast %broadcast_in_dim3A_235 : i1 to vector<16xi1>
          %masked_cumsum3A = tpu.scan <sum>, %get3A_234 masked %broadcast_in_dim3A_236 : vector<16xi32>, vector<16xi1> -> vector<16xi32>
          %reduce_sum3A_237 = arith.constant true
          %reduce_sum3A_238 = vector.broadcast %reduce_sum3A_237 : i1 to vector<16xi1>
          %reduce_sum3A_239 = tpu.scan <sum>, %get3A_234 masked %reduce_sum3A_238 : vector<16xi32>, vector<16xi1> -> vector<16xi32>
          %reduce_sum3A_240 = vector.extract %reduce_sum3A_239[15] : i32 from vector<16xi32>
          %add3A_241 = arith.addi %scan3A_228, %reduce_sum3A_240 : i32
          %sub3A_242 = vector.broadcast %add3A_241 : i32 to vector<16xi32>
          %sub3A_243 = arith.subi %sub3A_242, %masked_cumsum3A : vector<16xi32>
          %lt3A_244 = arith.constant 752 : i32
          %lt3A_245 = vector.broadcast %lt3A_244 : i32 to vector<16xi32>
          %lt3A_246 = arith.cmpi slt, %sub3A_243, %lt3A_245 : vector<16xi32>
          %add3A_247 = arith.addi %sub3A_243, %get3A_234 : vector<16xi32>
          %ge3A = arith.constant 752 : i32
          %ge3A_248 = vector.broadcast %ge3A : i32 to vector<16xi32>
          %ge3A_249 = arith.cmpi sge, %add3A_247, %ge3A_248 : vector<16xi32>
          %and3A_250 = arith.andi %lt3A_246, %ge3A_249 : vector<16xi1>
          %convert_element_type3A_251 = arith.extui %and3A_250 : vector<16xi1> to vector<16xi32>
          %mul3A_252 = arith.constant 16 : i32
          %mul3A_253 = arith.muli %sub3A_231, %mul3A_252 : i32
          %add3A_254 = vector.broadcast %mul3A_253 : i32 to vector<16xi32>
          %add3A_255 = arith.addi %add3A_254, %iota3A : vector<16xi32>
          %mul3A_256 = arith.muli %convert_element_type3A_251, %add3A_255 : vector<16xi32>
          %reduce_sum3A_257 = arith.constant true
          %reduce_sum3A_258 = vector.broadcast %reduce_sum3A_257 : i1 to vector<16xi1>
          %reduce_sum3A_259 = tpu.scan <sum>, %mul3A_256 masked %reduce_sum3A_258 : vector<16xi32>, vector<16xi1> -> vector<16xi32>
          %reduce_sum3A_260 = vector.extract %reduce_sum3A_259[15] : i32 from vector<16xi32>
          %add3A_261 = arith.addi %scan3A_229, %reduce_sum3A_260 : i32
          %add3A_262 = arith.addi %scan3A_228, %reduce_sum3A_240 : i32
          scf.yield %add3A_262, %add3A_261 : i32, i32
        }
        %scan3A_219 = arith.constant 16 : i32
        %shift_left3A = arith.constant 24 : i32
        %shift_left3A_220 = arith.shli %scan3A_218#1, %shift_left3A : i32
        %broadcast_in_dim3A_221 = vector.broadcast %shift_left3A_220 : i32 to vector<16xi32>
        %parallel_loop3A_222 = arith.constant 0 : i32
        %parallel_loop3A_223 = arith.constant 3136 : i32
        %parallel_loop3A_224 = arith.constant 1 : i32
        %parallel_loop3A_225 = arith.constant 0 : i32
        %parallel_loop3A_226:3 = scf.for %parallel_loop3A_227 = %parallel_loop3A_222 to %parallel_loop3A_223 step %parallel_loop3A_224 iter_args(%parallel_loop3A_228 = %parallel_loop3A_225, %parallel_loop3A_229 = %broadcast_in_dim3A_1, %parallel_loop3A_230 = %broadcast_in_dim3A_1) -> (i32, vector<16xf32>, vector<16xf32>)  : i32 {
          %parallel_loop3A_231 = arith.constant 16 : i32
          %parallel_loop3A_232 = arith.muli %parallel_loop3A_227, %parallel_loop3A_231 : i32
          %parallel_loop3A_233 = arith.index_cast %parallel_loop3A_232 : i32 to index
          %parallel_loop3A_234 = tpu.vector_load %arg4[%parallel_loop3A_233] {strides = array<i32>} : memref<50176xf32, #tpu.memory_space<vmem>>, vector<16xf32>,
          %parallel_loop3A_235 = vector.bitcast %parallel_loop3A_234 : vector<16xf32> to vector<16xi32>
          %parallel_loop3A_236 = arith.constant 31 : i32
          %parallel_loop3A_237 = vector.broadcast %parallel_loop3A_236 : i32 to vector<16xi32>
          %parallel_loop3A_238 = arith.shrsi %parallel_loop3A_235, %parallel_loop3A_237 : vector<16xi32>
          %parallel_loop3A_239 = arith.constant -2147483648 : i32
          %parallel_loop3A_240 = vector.broadcast %parallel_loop3A_239 : i32 to vector<16xi32>
          %parallel_loop3A_241 = arith.ori %parallel_loop3A_238, %parallel_loop3A_240 : vector<16xi32>
          %parallel_loop3A_242 = arith.xori %parallel_loop3A_235, %parallel_loop3A_241 : vector<16xi32>
          %parallel_loop3A_243 = vector.bitcast %parallel_loop3A_242 : vector<16xi32> to vector<16xi32>
          %parallel_loop3A_244 = arith.cmpi uge, %parallel_loop3A_243, %broadcast_in_dim3A_221 : vector<16xi32>
          %parallel_loop3A_245 = arith.index_cast %parallel_loop3A_228 : i32 to index
          %parallel_loop3A_246 = tpu.vector_load %arg5[%parallel_loop3A_245] masked %parallel_loop3A_244 {strides = array<i32>} : memref<50304xi32, #tpu.memory_space<vmem>>, vector<16xi32>, vector<16xi1>
          tpu.vector_store %arg5[%parallel_loop3A_245], %parallel_loop3A_243 masked %parallel_loop3A_244 {strides = array<i32>} : memref<50304xi32, #tpu.memory_space<vmem>>, vector<16xi32>, vector<16xi1>
          %parallel_loop3A_247 = arith.extui %parallel_loop3A_244 : vector<16xi1> to vector<16xi32>
          %parallel_loop3A_248 = arith.constant true
          %parallel_loop3A_249 = vector.broadcast %parallel_loop3A_248 : i1 to vector<16xi1>
          %parallel_loop3A_250 = tpu.scan <sum>, %parallel_loop3A_247 masked %parallel_loop3A_249 : vector<16xi32>, vector<16xi1> -> vector<16xi32>
          %parallel_loop3A_251 = vector.extract %parallel_loop3A_250[15] : i32 from vector<16xi32>
          %parallel_loop3A_252 = arith.addi %parallel_loop3A_228, %parallel_loop3A_251 : i32
          %parallel_loop3A_253 = arith.addf %parallel_loop3A_229, %parallel_loop3A_234 : vector<16xf32>
          %parallel_loop3A_254 = arith.mulf %parallel_loop3A_234, %parallel_loop3A_234 : vector<16xf32>
          %parallel_loop3A_255 = arith.addf %parallel_loop3A_230, %parallel_loop3A_254 : vector<16xf32>
          scf.yield %parallel_loop3A_252, %parallel_loop3A_253, %parallel_loop3A_255 : i32, vector<16xf32>, vector<16xf32>
        } {sc.loop_unroll_factor = 16 : i64, sc.parallel_access}
        scf.yield %shift_left3A_220, %parallel_loop3A_226#0 : i32, i32
      } else {
        scf.yield %scan3A_28, %parallel_loop3A_42#0 : i32, i32
      }
      %add3A_46 = arith.constant 1 : i32
      %add3A_47 = arith.addi %scan3A_27, %add3A_46 : i32
      %lt3A_48 = arith.constant 24 : i32
      %lt3A_49 = arith.cmpi slt, %add3A_47, %lt3A_48 : i32
      %convert_element_type3A_50 = arith.extui %lt3A_49 : i1 to i32
      %cond3A_51 = arith.constant 0 : i32
      %cond3A_52 = arith.cmpi ne, %convert_element_type3A_50, %cond3A_51 : i32
      scf.if %cond3A_52 {
        %add3A_203 = arith.constant 1 : i32
        %add3A_204 = arith.addi %add3A_31, %add3A_203 : i32
        %dma_start3A_205 = arith.constant 0 : i32
        %dma_start3A_206 = tpu.memref_slice %arg2[%add3A_204, %dma_start3A_205] : memref<768x50176xf32, #tpu.memory_space<hbm>> -> memref<1x50176xf32, #tpu.memory_space<hbm>>
        %dma_start3A_207 = tpu.memref_squeeze %dma_start3A_206 : memref<1x50176xf32, #tpu.memory_space<hbm>> -> memref<50176xf32, #tpu.memory_space<hbm>>
        %dma_start3A_208 = arith.constant 0 : i32
        %dma_start3A_209 = tpu.memref_slice %arg2[%add3A_204, %dma_start3A_208] : memref<768x50176xf32, #tpu.memory_space<hbm>> -> memref<1x50176xf32, #tpu.memory_space<hbm>>
        %dma_start3A_210 = tpu.memref_squeeze %dma_start3A_209 : memref<1x50176xf32, #tpu.memory_space<hbm>> -> memref<50176xf32, #tpu.memory_space<hbm>>
        tpu.enqueue_dma source(%dma_start3A_210 : memref<50176xf32, #tpu.memory_space<hbm>>) target(%arg4 : memref<50176xf32, #tpu.memory_space<vmem>>) target_semaphore(%arg9 : memref<!tpu.dma_semaphore, #tpu.memory_space<semaphore_mem>>)
      } else {
      }
      %add3A_53 = arith.constant 0 : i32
      %add3A_54 = arith.addi %cond3A_45#1, %add3A_53 : i32
      %swap3A = arith.index_cast %add3A_54 : i32 to index
      %swap3A_55 = tpu.vector_load %arg5[%swap3A] {strides = array<i32>} : memref<50304xi32, #tpu.memory_space<vmem>>, vector<16xi32>,
      tpu.vector_store %arg5[%swap3A], %broadcast_in_dim3A_5 {strides = array<i32>} : memref<50304xi32, #tpu.memory_space<vmem>>, vector<16xi32>,
      %add3A_56 = arith.constant 16 : i32
      %add3A_57 = arith.addi %cond3A_45#1, %add3A_56 : i32
      %swap3A_58 = arith.index_cast %add3A_57 : i32 to index
      %swap3A_59 = tpu.vector_load %arg5[%swap3A_58] {strides = array<i32>} : memref<50304xi32, #tpu.memory_space<vmem>>, vector<16xi32>,
      tpu.vector_store %arg5[%swap3A_58], %broadcast_in_dim3A_5 {strides = array<i32>} : memref<50304xi32, #tpu.memory_space<vmem>>, vector<16xi32>,
      %add3A_60 = arith.constant 32 : i32
      %add3A_61 = arith.addi %cond3A_45#1, %add3A_60 : i32
      %swap3A_62 = arith.index_cast %add3A_61 : i32 to index
      %swap3A_63 = tpu.vector_load %arg5[%swap3A_62] {strides = array<i32>} : memref<50304xi32, #tpu.memory_space<vmem>>, vector<16xi32>,
      tpu.vector_store %arg5[%swap3A_62], %broadcast_in_dim3A_5 {strides = array<i32>} : memref<50304xi32, #tpu.memory_space<vmem>>, vector<16xi32>,
      %add3A_64 = arith.constant 48 : i32
      %add3A_65 = arith.addi %cond3A_45#1, %add3A_64 : i32
      %swap3A_66 = arith.index_cast %add3A_65 : i32 to index
      %swap3A_67 = tpu.vector_load %arg5[%swap3A_66] {strides = array<i32>} : memref<50304xi32, #tpu.memory_space<vmem>>, vector<16xi32>,
      tpu.vector_store %arg5[%swap3A_66], %broadcast_in_dim3A_5 {strides = array<i32>} : memref<50304xi32, #tpu.memory_space<vmem>>, vector<16xi32>,
      %add3A_68 = arith.constant 64 : i32
      %add3A_69 = arith.addi %cond3A_45#1, %add3A_68 : i32
      %swap3A_70 = arith.index_cast %add3A_69 : i32 to index
      %swap3A_71 = tpu.vector_load %arg5[%swap3A_70] {strides = array<i32>} : memref<50304xi32, #tpu.memory_space<vmem>>, vector<16xi32>,
      tpu.vector_store %arg5[%swap3A_70], %broadcast_in_dim3A_5 {strides = array<i32>} : memref<50304xi32, #tpu.memory_space<vmem>>, vector<16xi32>,
      %add3A_72 = arith.constant 80 : i32
      %add3A_73 = arith.addi %cond3A_45#1, %add3A_72 : i32
      %swap3A_74 = arith.index_cast %add3A_73 : i32 to index
      %swap3A_75 = tpu.vector_load %arg5[%swap3A_74] {strides = array<i32>} : memref<50304xi32, #tpu.memory_space<vmem>>, vector<16xi32>,
      tpu.vector_store %arg5[%swap3A_74], %broadcast_in_dim3A_5 {strides = array<i32>} : memref<50304xi32, #tpu.memory_space<vmem>>, vector<16xi32>,
      %add3A_76 = arith.constant 96 : i32
      %add3A_77 = arith.addi %cond3A_45#1, %add3A_76 : i32
      %swap3A_78 = arith.index_cast %add3A_77 : i32 to index
      %swap3A_79 = tpu.vector_load %arg5[%swap3A_78] {strides = array<i32>} : memref<50304xi32, #tpu.memory_space<vmem>>, vector<16xi32>,
      tpu.vector_store %arg5[%swap3A_78], %broadcast_in_dim3A_5 {strides = array<i32>} : memref<50304xi32, #tpu.memory_space<vmem>>, vector<16xi32>,
      %add3A_80 = arith.constant 112 : i32
      %add3A_81 = arith.addi %cond3A_45#1, %add3A_80 : i32
      %swap3A_82 = arith.index_cast %add3A_81 : i32 to index
      %swap3A_83 = tpu.vector_load %arg5[%swap3A_82] {strides = array<i32>} : memref<50304xi32, #tpu.memory_space<vmem>>, vector<16xi32>,
      tpu.vector_store %arg5[%swap3A_82], %broadcast_in_dim3A_5 {strides = array<i32>} : memref<50304xi32, #tpu.memory_space<vmem>>, vector<16xi32>,
      %add3A_84 = arith.constant 16 : i32
      %add3A_85 = arith.addi %cond3A_45#1, %add3A_84 : i32
      %sub3A = arith.constant 1 : i32
      %sub3A_86 = arith.subi %add3A_85, %sub3A : i32
      %jit3A = arith.constant 16 : i32
      %div3A = arith.divsi %sub3A_86, %jit3A : i32
      %sign3A = arith.constant 0 : i32
      %sign3A_87 = arith.cmpi sgt, %sub3A_86, %sign3A : i32
      %sign3A_88 = arith.extui %sign3A_87 : i1 to i32
      %sign3A_89 = arith.constant 0 : i32
      %sign3A_90 = arith.cmpi slt, %sub3A_86, %sign3A_89 : i32
      %sign3A_91 = arith.extui %sign3A_90 : i1 to i32
      %sign3A_92 = arith.subi %sign3A_88, %sign3A_91 : i32
      %sign3A_93 = arith.constant 0 : i32
      %sign3A_94 = arith.cmpi sgt, %jit3A, %sign3A_93 : i32
      %sign3A_95 = arith.extui %sign3A_94 : i1 to i32
      %sign3A_96 = arith.constant 0 : i32
      %sign3A_97 = arith.cmpi slt, %jit3A, %sign3A_96 : i32
      %sign3A_98 = arith.extui %sign3A_97 : i1 to i32
      %sign3A_99 = arith.subi %sign3A_95, %sign3A_98 : i32
      %ne3A = arith.cmpi ne, %sign3A_92, %sign3A_99 : i32
      %rem3A = arith.remsi %sub3A_86, %jit3A : i32
      %ne3A_100 = arith.constant 0 : i32
      %ne3A_101 = arith.cmpi ne, %rem3A, %ne3A_100 : i32
      %and3A = arith.andi %ne3A, %ne3A_101 : i1
      %sub3A_102 = arith.constant 1 : i32
      %sub3A_103 = arith.subi %div3A, %sub3A_102 : i32
      %select_n3A = arith.select %and3A, %sub3A_103, %div3A : i32
      %add3A_104 = arith.constant 7 : i32
      %add3A_105 = arith.addi %select_n3A, %add3A_104 : i32
      %and3A_106 = arith.constant -8 : i32
      %and3A_107 = arith.andi %add3A_105, %and3A_106 : i32
      %add3A_108 = arith.constant 16777216 : i32
      %add3A_109 = arith.addi %cond3A_45#0, %add3A_108 : i32
      %broadcast_in_dim3A_110 = vector.broadcast %add3A_109 : i32 to vector<16xi32>
      %parallel_loop3A_111 = arith.constant 0 : i32
      %parallel_loop3A_112 = arith.constant 1 : i32
      %parallel_loop3A_113 = scf.for %parallel_loop3A_203 = %parallel_loop3A_111 to %and3A_107 step %parallel_loop3A_112 iter_args(%parallel_loop3A_204 = %broadcast_in_dim3A_3) -> (vector<16xi32>)  : i32 {
        %parallel_loop3A_205 = arith.constant 16 : i32
        %parallel_loop3A_206 = arith.muli %parallel_loop3A_203, %parallel_loop3A_205 : i32
        %parallel_loop3A_207 = arith.index_cast %parallel_loop3A_206 : i32 to index
        %parallel_loop3A_208 = tpu.vector_load %arg5[%parallel_loop3A_207] {strides = array<i32>} : memref<50304xi32, #tpu.memory_space<vmem>>, vector<16xi32>,
        %parallel_loop3A_209 = arith.cmpi uge, %parallel_loop3A_208, %broadcast_in_dim3A_110 : vector<16xi32>
        %parallel_loop3A_210 = arith.extui %parallel_loop3A_209 : vector<16xi1> to vector<16xi32>
        %parallel_loop3A_211 = arith.addi %parallel_loop3A_204, %parallel_loop3A_210 : vector<16xi32>
        scf.yield %parallel_loop3A_211 : vector<16xi32>
      } {sc.loop_unroll_factor = 8 : i64, sc.parallel_access}
      %reduce_sum3A = arith.constant true
      %reduce_sum3A_114 = vector.broadcast %reduce_sum3A : i1 to vector<16xi1>
      %reduce_sum3A_115 = tpu.scan <sum>, %parallel_loop3A_113 masked %reduce_sum3A_114 : vector<16xi32>, vector<16xi1> -> vector<16xi32>
      %reduce_sum3A_116 = vector.extract %reduce_sum3A_115[15] : i32 from vector<16xi32>
      %lt3A_117 = arith.constant 752 : i32
      %lt3A_118 = arith.cmpi slt, %reduce_sum3A_116, %lt3A_117 : i32
      %jit3A_119 = arith.constant 8 : i32
      %jit3A_120 = arith.constant 0 : i32
      %select_n3A_121 = arith.select %lt3A_118, %jit3A_119, %jit3A_120 : i32
      %jit3A_122 = arith.constant 0 : i32
      %select_n3A_123 = arith.select %lt3A_118, %cond3A_45#0, %jit3A_122 : i32
      %while3A = arith.constant 32 : i32
      %while3A_124 = arith.subi %while3A, %select_n3A_121 : i32
      %while3A_125 = arith.addi %select_n3A_121, %while3A_124 : i32
      %while3A_126 = arith.constant 1 : i32
      %while3A_127 = arith.divsi %while3A_124, %while3A_126 : i32
      %while3A_128 = arith.muli %while3A_127, %while3A_126 : i32
      %while3A_129 = arith.addi %select_n3A_121, %while3A_128 : i32
      %while3A_130 = arith.constant 1 : i32
      %while3A_131 = scf.for %while3A_203 = %select_n3A_121 to %while3A_129 step %while3A_130 iter_args(%while3A_204 = %select_n3A_123) -> (i32)  : i32 {
        %shift_right_logical3A = arith.constant -2147483648 : i32
        %shift_right_logical3A_205 = arith.shrui %shift_right_logical3A, %while3A_203 : i32
        %or3A_206 = arith.ori %while3A_204, %shift_right_logical3A_205 : i32
        %broadcast_in_dim3A_207 = vector.broadcast %or3A_206 : i32 to vector<16xi32>
        %parallel_loop3A_208 = arith.constant 0 : i32
        %parallel_loop3A_209 = arith.constant 1 : i32
        %parallel_loop3A_210 = scf.for %parallel_loop3A_217 = %parallel_loop3A_208 to %and3A_107 step %parallel_loop3A_209 iter_args(%parallel_loop3A_218 = %broadcast_in_dim3A_3) -> (vector<16xi32>)  : i32 {
          %parallel_loop3A_219 = arith.constant 16 : i32
          %parallel_loop3A_220 = arith.muli %parallel_loop3A_217, %parallel_loop3A_219 : i32
          %parallel_loop3A_221 = arith.index_cast %parallel_loop3A_220 : i32 to index
          %parallel_loop3A_222 = tpu.vector_load %arg5[%parallel_loop3A_221] {strides = array<i32>} : memref<50304xi32, #tpu.memory_space<vmem>>, vector<16xi32>,
          %parallel_loop3A_223 = arith.cmpi uge, %parallel_loop3A_222, %broadcast_in_dim3A_207 : vector<16xi32>
          %parallel_loop3A_224 = arith.extui %parallel_loop3A_223 : vector<16xi1> to vector<16xi32>
          %parallel_loop3A_225 = arith.addi %parallel_loop3A_218, %parallel_loop3A_224 : vector<16xi32>
          scf.yield %parallel_loop3A_225 : vector<16xi32>
        } {sc.loop_unroll_factor = 8 : i64, sc.parallel_access}
        %reduce_sum3A_211 = arith.constant true
        %reduce_sum3A_212 = vector.broadcast %reduce_sum3A_211 : i1 to vector<16xi1>
        %reduce_sum3A_213 = tpu.scan <sum>, %parallel_loop3A_210 masked %reduce_sum3A_212 : vector<16xi32>, vector<16xi1> -> vector<16xi32>
        %reduce_sum3A_214 = vector.extract %reduce_sum3A_213[15] : i32 from vector<16xi32>
        %ge3A = arith.constant 752 : i32
        %ge3A_215 = arith.cmpi sge, %reduce_sum3A_214, %ge3A : i32
        %select_n3A_216 = arith.select %ge3A_215, %or3A_206, %while3A_204 : i32
        scf.yield %select_n3A_216 : i32
      }
      %while3A_132 = arith.constant 1 : i32
      %while3A_133 = scf.for %while3A_203 = %while3A_129 to %while3A_125 step %while3A_132 iter_args(%while3A_204 = %while3A_131) -> (i32)  : i32 {
        %shift_right_logical3A = arith.constant -2147483648 : i32
        %shift_right_logical3A_205 = arith.shrui %shift_right_logical3A, %while3A_203 : i32
        %or3A_206 = arith.ori %while3A_204, %shift_right_logical3A_205 : i32
        %broadcast_in_dim3A_207 = vector.broadcast %or3A_206 : i32 to vector<16xi32>
        %parallel_loop3A_208 = arith.constant 0 : i32
        %parallel_loop3A_209 = arith.constant 1 : i32
        %parallel_loop3A_210 = scf.for %parallel_loop3A_217 = %parallel_loop3A_208 to %and3A_107 step %parallel_loop3A_209 iter_args(%parallel_loop3A_218 = %broadcast_in_dim3A_3) -> (vector<16xi32>)  : i32 {
          %parallel_loop3A_219 = arith.constant 16 : i32
          %parallel_loop3A_220 = arith.muli %parallel_loop3A_217, %parallel_loop3A_219 : i32
          %parallel_loop3A_221 = arith.index_cast %parallel_loop3A_220 : i32 to index
          %parallel_loop3A_222 = tpu.vector_load %arg5[%parallel_loop3A_221] {strides = array<i32>} : memref<50304xi32, #tpu.memory_space<vmem>>, vector<16xi32>,
          %parallel_loop3A_223 = arith.cmpi uge, %parallel_loop3A_222, %broadcast_in_dim3A_207 : vector<16xi32>
          %parallel_loop3A_224 = arith.extui %parallel_loop3A_223 : vector<16xi1> to vector<16xi32>
          %parallel_loop3A_225 = arith.addi %parallel_loop3A_218, %parallel_loop3A_224 : vector<16xi32>
          scf.yield %parallel_loop3A_225 : vector<16xi32>
        } {sc.loop_unroll_factor = 8 : i64, sc.parallel_access}
        %reduce_sum3A_211 = arith.constant true
        %reduce_sum3A_212 = vector.broadcast %reduce_sum3A_211 : i1 to vector<16xi1>
        %reduce_sum3A_213 = tpu.scan <sum>, %parallel_loop3A_210 masked %reduce_sum3A_212 : vector<16xi32>, vector<16xi1> -> vector<16xi32>
        %reduce_sum3A_214 = vector.extract %reduce_sum3A_213[15] : i32 from vector<16xi32>
        %ge3A = arith.constant 752 : i32
        %ge3A_215 = arith.cmpi sge, %reduce_sum3A_214, %ge3A : i32
        %select_n3A_216 = arith.select %ge3A_215, %or3A_206, %while3A_204 : i32
        scf.yield %select_n3A_216 : i32
      }
      %broadcast_in_dim3A_134 = vector.broadcast %while3A_133 : i32 to vector<16xi32>
      %parallel_loop3A_135 = arith.constant 0 : i32
      %parallel_loop3A_136 = arith.constant 1 : i32
      %parallel_loop3A_137:2 = scf.for %parallel_loop3A_203 = %parallel_loop3A_135 to %and3A_107 step %parallel_loop3A_136 iter_args(%parallel_loop3A_204 = %broadcast_in_dim3A_1, %parallel_loop3A_205 = %broadcast_in_dim3A_3) -> (vector<16xf32>, vector<16xi32>)  : i32 {
        %parallel_loop3A_206 = arith.constant 16 : i32
        %parallel_loop3A_207 = arith.muli %parallel_loop3A_203, %parallel_loop3A_206 : i32
        %parallel_loop3A_208 = arith.index_cast %parallel_loop3A_207 : i32 to index
        %parallel_loop3A_209 = tpu.vector_load %arg5[%parallel_loop3A_208] {strides = array<i32>} : memref<50304xi32, #tpu.memory_space<vmem>>, vector<16xi32>,
        %parallel_loop3A_210 = arith.cmpi ugt, %parallel_loop3A_209, %broadcast_in_dim3A_134 : vector<16xi32>
        %parallel_loop3A_211 = vector.bitcast %parallel_loop3A_209 : vector<16xi32> to vector<16xi32>
        %parallel_loop3A_212 = arith.constant 31 : i32
        %parallel_loop3A_213 = vector.broadcast %parallel_loop3A_212 : i32 to vector<16xi32>
        %parallel_loop3A_214 = arith.shrsi %parallel_loop3A_211, %parallel_loop3A_213 : vector<16xi32>
        %parallel_loop3A_215 = arith.constant dense<-1> : vector<16xi32>
        %parallel_loop3A_216 = arith.xori %parallel_loop3A_214, %parallel_loop3A_215 : vector<16xi32>
        %parallel_loop3A_217 = arith.constant -2147483648 : i32
        %parallel_loop3A_218 = vector.broadcast %parallel_loop3A_217 : i32 to vector<16xi32>
        %parallel_loop3A_219 = arith.ori %parallel_loop3A_216, %parallel_loop3A_218 : vector<16xi32>
        %parallel_loop3A_220 = arith.xori %parallel_loop3A_211, %parallel_loop3A_219 : vector<16xi32>
        %parallel_loop3A_221 = vector.bitcast %parallel_loop3A_220 : vector<16xi32> to vector<16xf32>
        %parallel_loop3A_222 = arith.constant 0.000000e+00 : f32
        %parallel_loop3A_223 = vector.broadcast %parallel_loop3A_222 : f32 to vector<16xf32>
        %parallel_loop3A_224 = arith.select %parallel_loop3A_210, %parallel_loop3A_221, %parallel_loop3A_223 : vector<16xi1>, vector<16xf32>
        %parallel_loop3A_225 = arith.addf %parallel_loop3A_204, %parallel_loop3A_224 : vector<16xf32>
        %parallel_loop3A_226 = arith.extui %parallel_loop3A_210 : vector<16xi1> to vector<16xi32>
        %parallel_loop3A_227 = arith.addi %parallel_loop3A_205, %parallel_loop3A_226 : vector<16xi32>
        scf.yield %parallel_loop3A_225, %parallel_loop3A_227 : vector<16xf32>, vector<16xi32>
      } {sc.loop_unroll_factor = 4 : i64, sc.parallel_access}
      %reduce_sum3A_138 = arith.constant true
      %reduce_sum3A_139 = vector.broadcast %reduce_sum3A_138 : i1 to vector<16xi1>
      %reduce_sum3A_140 = tpu.scan <sum>, %parallel_loop3A_137#0 masked %reduce_sum3A_139 : vector<16xf32>, vector<16xi1> -> vector<16xf32>
      %reduce_sum3A_141 = vector.extract %reduce_sum3A_140[15] : f32 from vector<16xf32>
      %reduce_sum3A_142 = arith.constant true
      %reduce_sum3A_143 = vector.broadcast %reduce_sum3A_142 : i1 to vector<16xi1>
      %reduce_sum3A_144 = tpu.scan <sum>, %parallel_loop3A_137#1 masked %reduce_sum3A_143 : vector<16xi32>, vector<16xi1> -> vector<16xi32>
      %reduce_sum3A_145 = vector.extract %reduce_sum3A_144[15] : i32 from vector<16xi32>
      %bitcast3A = vector.bitcast %broadcast_in_dim3A_134 : vector<16xi32> to vector<16xi32>
      %shift_right_arithmetic3A = arith.constant 31 : i32
      %shift_right_arithmetic3A_146 = vector.broadcast %shift_right_arithmetic3A : i32 to vector<16xi32>
      %shift_right_arithmetic3A_147 = arith.shrsi %bitcast3A, %shift_right_arithmetic3A_146 : vector<16xi32>
      %not3A = arith.constant dense<-1> : vector<16xi32>
      %not3A_148 = arith.xori %shift_right_arithmetic3A_147, %not3A : vector<16xi32>
      %or3A = arith.constant -2147483648 : i32
      %or3A_149 = vector.broadcast %or3A : i32 to vector<16xi32>
      %or3A_150 = arith.ori %not3A_148, %or3A_149 : vector<16xi32>
      %xor3A = arith.xori %bitcast3A, %or3A_150 : vector<16xi32>
      %bitcast3A_151 = vector.bitcast %xor3A : vector<16xi32> to vector<16xf32>
      %eq3A = arith.constant 0 : i32
      %eq3A_152 = vector.broadcast %eq3A : i32 to vector<16xi32>
      %eq3A_153 = arith.cmpi eq, %iota3A, %eq3A_152 : vector<16xi32>
      %jit3A_154 = arith.constant 0.000000e+00 : f32
      %broadcast_in_dim3A_155 = vector.broadcast %jit3A_154 : f32 to vector<16xf32>
      %select_n3A_156 = arith.select %eq3A_153, %bitcast3A_151, %broadcast_in_dim3A_155 : vector<16xi1>, vector<16xf32>
      %reduce_sum3A_157 = arith.constant true
      %reduce_sum3A_158 = vector.broadcast %reduce_sum3A_157 : i1 to vector<16xi1>
      %reduce_sum3A_159 = tpu.scan <sum>, %select_n3A_156 masked %reduce_sum3A_158 : vector<16xf32>, vector<16xi1> -> vector<16xf32>
      %reduce_sum3A_160 = vector.extract %reduce_sum3A_159[15] : f32 from vector<16xf32>
      %sub3A_161 = arith.constant 752 : i32
      %sub3A_162 = arith.subi %sub3A_161, %reduce_sum3A_145 : i32
      %convert_element_type3A_163 = arith.sitofp %sub3A_162 : i32 to f32
      %mul3A_164 = arith.mulf %convert_element_type3A_163, %reduce_sum3A_160 : f32
      %add3A_165 = arith.addf %reduce_sum3A_141, %mul3A_164 : f32
      %eq3A_166 = arith.constant 0 : i32
      %eq3A_167 = vector.broadcast %eq3A_166 : i32 to vector<16xi32>
      %eq3A_168 = arith.cmpi eq, %iota3A, %eq3A_167 : vector<16xi32>
      %reduce_sum3A_169 = arith.constant true
      %reduce_sum3A_170 = vector.broadcast %reduce_sum3A_169 : i1 to vector<16xi1>
      %reduce_sum3A_171 = tpu.scan <sum>, %parallel_loop3A_42#1 masked %reduce_sum3A_170 : vector<16xf32>, vector<16xi1> -> vector<16xf32>
      %reduce_sum3A_172 = vector.extract %reduce_sum3A_171[15] : f32 from vector<16xf32>
      %jit3A_173 = arith.constant 0.000000e+00 : f32
      %broadcast_in_dim3A_174 = vector.broadcast %reduce_sum3A_172 : f32 to vector<16xf32>
      %broadcast_in_dim3A_175 = vector.broadcast %jit3A_173 : f32 to vector<16xf32>
      %select_n3A_176 = arith.select %eq3A_168, %broadcast_in_dim3A_174, %broadcast_in_dim3A_175 : vector<16xi1>, vector<16xf32>
      %eq3A_177 = arith.constant 1 : i32
      %eq3A_178 = vector.broadcast %eq3A_177 : i32 to vector<16xi32>
      %eq3A_179 = arith.cmpi eq, %iota3A, %eq3A_178 : vector<16xi32>
      %reduce_sum3A_180 = arith.constant true
      %reduce_sum3A_181 = vector.broadcast %reduce_sum3A_180 : i1 to vector<16xi1>
      %reduce_sum3A_182 = tpu.scan <sum>, %parallel_loop3A_42#2 masked %reduce_sum3A_181 : vector<16xf32>, vector<16xi1> -> vector<16xf32>
      %reduce_sum3A_183 = vector.extract %reduce_sum3A_182[15] : f32 from vector<16xf32>
      %jit3A_184 = arith.constant 0.000000e+00 : f32
      %broadcast_in_dim3A_185 = vector.broadcast %reduce_sum3A_183 : f32 to vector<16xf32>
      %broadcast_in_dim3A_186 = vector.broadcast %jit3A_184 : f32 to vector<16xf32>
      %select_n3A_187 = arith.select %eq3A_179, %broadcast_in_dim3A_185, %broadcast_in_dim3A_186 : vector<16xi1>, vector<16xf32>
      %add3A_188 = arith.addf %select_n3A_176, %select_n3A_187 : vector<16xf32>
      %eq3A_189 = arith.constant 2 : i32
      %eq3A_190 = vector.broadcast %eq3A_189 : i32 to vector<16xi32>
      %eq3A_191 = arith.cmpi eq, %iota3A, %eq3A_190 : vector<16xi32>
      %jit3A_192 = arith.constant 0.000000e+00 : f32
      %broadcast_in_dim3A_193 = vector.broadcast %add3A_165 : f32 to vector<16xf32>
      %broadcast_in_dim3A_194 = vector.broadcast %jit3A_192 : f32 to vector<16xf32>
      %select_n3A_195 = arith.select %eq3A_191, %broadcast_in_dim3A_193, %broadcast_in_dim3A_194 : vector<16xi1>, vector<16xf32>
      %add3A_196 = arith.addf %add3A_188, %select_n3A_195 : vector<16xf32>
      %mul3A_197 = arith.constant 16 : i32
      %mul3A_198 = arith.muli %scan3A_27, %mul3A_197 : i32
      %swap3A_199 = arith.index_cast %mul3A_198 : i32 to index
      %swap3A_200 = tpu.vector_load %arg8[%swap3A_199] {strides = array<i32>} : memref<384xf32, #tpu.memory_space<vmem>>, vector<16xf32>,
      tpu.vector_store %arg8[%swap3A_199], %add3A_196 {strides = array<i32>} : memref<384xf32, #tpu.memory_space<vmem>>, vector<16xf32>,
      %and3A_201 = arith.constant -16777216 : i32
      %and3A_202 = arith.andi %while3A_133, %and3A_201 : i32
      scf.yield %and3A_202 : i32
    }
    %scan3A_22 = arith.constant 24 : i32
    %mul3A_23 = arith.constant 24 : i32
    %mul3A_24 = arith.muli %add3A, %mul3A_23 : i32
    %mul3A_25 = arith.constant 16 : i32
    %mul3A_26 = arith.muli %mul3A_24, %mul3A_25 : i32
    "tpu.region"() ({
      %run_scoped3A = tpu.sem_alloc : memref<!tpu.dma_semaphore, #tpu.memory_space<semaphore_mem>>
      %dma_start3A_27 = tpu.memref_slice %arg3[%mul3A_26] : memref<12288xf32, #tpu.memory_space<hbm>> -> memref<384xf32, #tpu.memory_space<hbm>>
      %dma_start3A_28 = tpu.memref_slice %arg3[%mul3A_26] : memref<12288xf32, #tpu.memory_space<hbm>> -> memref<384xf32, #tpu.memory_space<hbm>>
      tpu.enqueue_dma source(%arg8 : memref<384xf32, #tpu.memory_space<vmem>>) target(%dma_start3A_28 : memref<384xf32, #tpu.memory_space<hbm>>) target_semaphore(%run_scoped3A : memref<!tpu.dma_semaphore, #tpu.memory_space<semaphore_mem>>)
      %dma_wait3A = tpu.memref_slice %arg3[%mul3A_26] : memref<12288xf32, #tpu.memory_space<hbm>> -> memref<384xf32, #tpu.memory_space<hbm>>
      %dma_wait3A_29 = tpu.memref_slice %arg3[%mul3A_26] : memref<12288xf32, #tpu.memory_space<hbm>> -> memref<384xf32, #tpu.memory_space<hbm>>
      tpu.wait_dma2 semaphore(%run_scoped3A : memref<!tpu.dma_semaphore, #tpu.memory_space<semaphore_mem>>) src(%arg8 : memref<384xf32, #tpu.memory_space<vmem>>) dst(%dma_wait3A_29 : memref<384xf32, #tpu.memory_space<hbm>>)
      tpu.yield
    }) : () -> ()
    return
  }
}

module attributes {stable_mosaic.version = 14 : i64} {
  func.func @_combine_body(%arg0: memref<768x16xf32, #tpu.memory_space<vmem>>, %arg1: memref<1x1xf32, #tpu.memory_space<vmem>>) attributes {dimension_semantics = [], scalar_prefetch = 0 : i64, scratch_operands = 0 : i64, tpu.core_type = #tpu.core_type<tc>} {
    %get3A = arith.constant 0 : index
    %get3A_0 = arith.constant 0 : index
    %get3A_1 = vector.load %arg0[%get3A, %get3A_0] : memref<768x16xf32, #tpu.memory_space<vmem>>, vector<768x16xf32>
    %slice3A = vector.extract_strided_slice %get3A_1 {offsets = [0, 0], sizes = [768, 1], strides = [1, 1]} : vector<768x16xf32> to vector<768x1xf32>
    %slice3A_2 = vector.extract_strided_slice %get3A_1 {offsets = [0, 1], sizes = [768, 1], strides = [1, 1]} : vector<768x16xf32> to vector<768x1xf32>
    %slice3A_3 = vector.extract_strided_slice %get3A_1 {offsets = [0, 2], sizes = [768, 1], strides = [1, 1]} : vector<768x16xf32> to vector<768x1xf32>
    %mul3A = arith.constant 0.00132978719 : f32
    %mul3A_4 = vector.broadcast %mul3A : f32 to vector<768x1xf32>
    %mul3A_5 = arith.mulf %slice3A_3, %mul3A_4 : vector<768x1xf32>
    %mul3A_6 = arith.mulf %mul3A_5, %slice3A : vector<768x1xf32>
    %mul3A_7 = arith.constant 2.000000e+00 : f32
    %mul3A_8 = vector.broadcast %mul3A_7 : f32 to vector<768x1xf32>
    %mul3A_9 = arith.mulf %mul3A_8, %mul3A_6 : vector<768x1xf32>
    %sub3A = arith.subf %slice3A_2, %mul3A_9 : vector<768x1xf32>
    %mul3A_10 = arith.mulf %mul3A_5, %mul3A_5 : vector<768x1xf32>
    %mul3A_11 = arith.constant 5.017600e+04 : f32
    %mul3A_12 = vector.broadcast %mul3A_11 : f32 to vector<768x1xf32>
    %mul3A_13 = arith.mulf %mul3A_12, %mul3A_10 : vector<768x1xf32>
    %add3A = arith.addf %sub3A, %mul3A_13 : vector<768x1xf32>
    %reduce_sum3A = vector.shape_cast %add3A : vector<768x1xf32> to vector<1x768x1xf32>
    %reduce_sum3A_14 = arith.constant dense<0.000000e+00> : vector<1xf32>
    %reduce_sum3A_15 = vector.multi_reduction <add>, %reduce_sum3A, %reduce_sum3A_14 [1, 2] : vector<1x768x1xf32> to vector<1xf32>
    %reduce_sum3A_16 = vector.shape_cast %reduce_sum3A_15 : vector<1xf32> to vector<1x1x1xf32>
    %reduce_sum3A_17 = vector.extract %reduce_sum3A_16[0, 0, 0] : f32 from vector<1x1x1xf32>
    %mul3A_18 = arith.constant 2.5950321E-8 : f32
    %mul3A_19 = arith.mulf %reduce_sum3A_17, %mul3A_18 : f32
    %reshape3A = vector.broadcast %mul3A_19 : f32 to vector<1x1xf32>
    %swap3A = arith.constant 0 : index
    %swap3A_20 = arith.constant 0 : index
    %swap3A_21 = vector.load %arg1[%swap3A, %swap3A_20] : memref<1x1xf32, #tpu.memory_space<vmem>>, vector<1x1xf32>
    tpu.vector_store %arg1[%swap3A, %swap3A_20], %reshape3A {strides = array<i32>} : memref<1x1xf32, #tpu.memory_space<vmem>>, vector<1x1xf32>,
    return
  }
}

</mosaic_0001>

<sc_bundles>
// kernel: kernel.4.cloned.1.call-start
scs
__scs_entry_jumppad:
0x0: {  	(pc) =	sbr.rel $0x88, $3  }
0x1: {  	(tag) =	ssettag $0x0;
	lr =	simm.s32 $0x1  }
0x2: {  	[smem:$0x3FA0] =	sst lr;
	_ =	strace $0xD0000000  }
0x3: {  	_ = 	snop  }
0x4: {  	_ = 	snop  }
0x5: {  	_ = 	snop  }
0x6: {  	_ = 	snop  }
0x7: {  	_ = 	snop  }
__scs_overlays_trampoline_lowered:
0x8: {  	[smem:$0x3FAF] =	sst s0  }
0x9: {  	[smem:$0x3FB0] =	sst s1  }
0xa: {  	[smem:$0x3FB1] =	sst s2  }
0xb: {  	[smem:$0x3FB2] =	sst s3  }
0xc: {  	[smem:$0x3FB3] =	sst s4  }
0xd: {  	[smem:$0x3FB4] =	sst s5  }
0xe: {  	[smem:$0x3FB5] =	sst s6  }
0xf: {  	[smem:$0x3FB6] =	sst s7  }
0x10: {  	[smem:$0x3FB7] =	sst s8  }
0x11: {  	[smem:$0x3FB8] =	sst s9;
	s0 =	simm.s32 @!p0 $0x0  }
0x12: {  	s1 =	sld [smem:$0x3F9E];
	s0 =	simm.s32 @p0 $0x1  }
0x13: {  	[smem:$0x3FB9] =	sst s0;
	s0 =	simm.s32 @!p1 $0x0  }
0x14: {  	s2 =	sld [smem:$0x3F9D];
	s0 =	simm.s32 @p1 $0x1  }
0x15: {  	[smem:$0x3FBA] =	sst s0;
	s0 =	simm.s32 @!p2 $0x0  }
0x16: {  	s3 =	sld [smem:$0x3FDB];
	s0 =	simm.s32 @p2 $0x1  }
0x17: {  	s4 =	simm.s32 $0x1BF5;
	[smem:$0x3FBC] =	sst s0  }
0x18: {  	s0 =	sld [smem:$0x3F9F];
	_ =	swait.ge [sflag:s4], $0x0  }
0x19: {  	s7 =	sld [smem:$0x3FA0]  }
0x1a: {  	s8 =	sadd.s32 $0xFFFFE003, lr  }
0x1b: {  	s9 =	sadd.s32 $0xFFFFFEF7, lr;
	s5 =	simm.s32 $0xFFFFFFFF;
	p2 =	slt.u32 s8, $0xFFFFF086  }
0x1c: {  	p1 =	slt.u32 s9, $0xF7A;
	s5 =	simm.s32 @!p2 $0x0  }
0x1d: {  	s5 =	simm.s32 @p1 $0x1;
	p0 =	seq.s32 s7, s2  }
0x1e: {  	s7 =	smul.u32 @!p0 $0xF7A, s2;
	p2 =	seq.s32 @!p0 s5, $0x0  }
0x1f: {  	s9 =	smul.u32 $0xF7A, s1;
	s8 =	simm.s32 @!p0 $0x1BF5;
	p2 =	por !p2, p0  }
0x20: {  	[sflag:s8] =	ssyncset.s32 @!p0 $0xFFFFF086;
	s6 =	sadd.s32 @!p0 s3, s7;
	s7 =	simm.s32 @!p0 $0x108  }
0x21: {  	s3 =	sadd.s32 s3, s9;
	s6 =	sadd.s32 @!p0 $0x88, s6;
	s7 =	simm.s32 @p2 $0x1082  }
0x22: {  	[simem:s7], [sflag:s8] =	dma.local @!p0 [hbm:s6], $0xF7A  }
0x23: {  	s9 =	sor.u32 $0xD0000000, s2;
	s6 =	simm.s32 $0x108;
	_ =	swait.ge @!p0 [sflag:s8], $0x0  }
0x24: {  	s3 =	sadd.s32 $0x88, s3;
	s6 =	simm.s32 @!p1 $0x1082;
	[sflag:s4] =	ssyncset.s32 $0xFFFFF086  }
0x25: {  	[simem:s6], [sflag:s4] =	dma.local [hbm:s3], $0xF7A  }
0x26: {  	[smem:$0x3FA0] =	sst s1;
	(tag) =	ssettag s2;
	_ =	strace s9  }
0x27: {  	s1 =	sld [smem:$0x3FB0]  }
0x28: {  	s2 =	sld [smem:$0x3FB1]  }
0x29: {  	s4 =	sld [smem:$0x3FB3]  }
0x2a: {  	p0 =	seq.s32 s5, $0x0;
	s5 =	sld [smem:$0x3FB4]  }
0x2b: {  	s6 =	sld [smem:$0x3FB5]  }
0x2c: {  	s7 =	sld [smem:$0x3FB6]  }
0x2d: {  	s3 =	simm.s32 $0x108;
	s8 =	sld [smem:$0x3FB7]  }
0x2e: {  	s3 =	simm.s32 @!p0 $0x1082;
	s9 =	sld [smem:$0x3FB8]  }
0x2f: {  	lr =	sadd.s32 s0, s3;
	s0 =	sld [smem:$0x3FAF]  }
0x30: {  	s3 =	sld [smem:$0x3FB2]  }
0x31: {  	[smem:$0x3FBB] =	sst s10  }
0x32: {  	s10 =	sld [smem:$0x3FB9];
	_ =	sdelay $0x3  }
0x33: {  	p0 =	seq.s32 s10, $0x1;
	s10 =	sld [smem:$0x3FBB];
	_ =	sdelay $0x3  }
0x34: {  	[smem:$0x3FBB] =	sst s10  }
0x35: {  	s10 =	sld [smem:$0x3FBA];
	_ =	sdelay $0x3  }
0x36: {  	p1 =	seq.s32 s10, $0x1;
	s10 =	sld [smem:$0x3FBB];
	_ =	sdelay $0x3  }
0x37: {  	[smem:$0x3FBB] =	sst s10  }
0x38: {  	s10 =	sld [smem:$0x3FBC]  }
0x39: {  	_ = 	snop;
	(pc) =	sbr.ind lr, $3  }
0x3a: {  	_ = 	snop  }
0x3b: {  	_ = 	snop  }
0x3c: {  	p2 =	seq.s32 s10, $0x1;
	s10 =	sld [smem:$0x3FBB]  }
0x3d: {  	_ =	shalt  }
0x3e: {  	_ =	shalt  }
0x3f: {  	_ =	shalt  }
0x40: {  	_ =	shalt  }
0x41: {  	_ =	shalt  }
0x42: {  	_ =	shalt  }
0x43: {  	_ =	shalt  }
0x44: {  	_ =	shalt  }
0x45: {  	_ =	shalt  }
0x46: {  	_ =	shalt  }
0x47: {  	_ =	shalt  }
0x48: {  	_ =	shalt  }
0x49: {  	_ =	shalt  }
0x4a: {  	_ =	shalt  }
0x4b: {  	_ =	shalt  }
0x4c: {  	_ =	shalt  }
0x4d: {  	_ =	shalt  }
0x4e: {  	_ =	shalt  }
0x4f: {  	_ =	shalt  }
0x50: {  	_ =	shalt  }
0x51: {  	_ =	shalt  }
0x52: {  	_ =	shalt  }
0x53: {  	_ =	shalt  }
0x54: {  	_ =	shalt  }
0x55: {  	_ =	shalt  }
0x56: {  	_ =	shalt  }
0x57: {  	_ =	shalt  }
0x58: {  	_ =	shalt  }
0x59: {  	_ =	shalt  }
0x5a: {  	_ =	shalt  }
0x5b: {  	_ =	shalt  }
0x5c: {  	_ =	shalt  }
0x5d: {  	_ =	shalt  }
0x5e: {  	_ =	shalt  }
0x5f: {  	_ =	shalt  }
0x60: {  	_ =	shalt  }
0x61: {  	_ =	shalt  }
0x62: {  	_ =	shalt  }
0x63: {  	_ =	shalt  }
0x64: {  	_ =	shalt  }
0x65: {  	_ =	shalt  }
0x66: {  	_ =	shalt  }
0x67: {  	_ =	shalt  }
0x68: {  	_ =	shalt  }
0x69: {  	_ =	shalt  }
0x6a: {  	_ =	shalt  }
0x6b: {  	_ =	shalt  }
0x6c: {  	_ =	shalt  }
0x6d: {  	_ =	shalt  }
0x6e: {  	_ =	shalt  }
0x6f: {  	_ =	shalt  }
0x70: {  	_ =	shalt  }
0x71: {  	_ =	shalt  }
0x72: {  	_ =	shalt  }
0x73: {  	_ =	shalt  }
0x74: {  	_ =	shalt  }
0x75: {  	_ =	shalt  }
0x76: {  	_ =	shalt  }
0x77: {  	_ =	shalt  }
0x78: {  	_ =	shalt  }
0x79: {  	_ =	shalt  }
0x7a: {  	_ =	shalt  }
0x7b: {  	_ =	shalt  }
0x7c: {  	_ =	shalt  }
0x7d: {  	_ =	shalt  }
0x7e: {  	_ =	shalt  }
0x7f: {  	_ =	shalt  }
0x80: {  	_ =	shalt  }
0x81: {  	_ =	shalt  }
0x82: {  	_ =	shalt  }
0x83: {  	_ =	shalt  }
0x84: {  	_ =	shalt  }
0x85: {  	_ =	shalt  }
0x86: {  	_ =	shalt  }
0x87: {  	_ =	shalt  }
.Lfunc_end0:
.L_simem_size_0:
called_computation_lowered:
.L_overlay_start_0:
0x88: {  	s2 =	sld [smem:$0x3FD9]  }
0x89: {  	s3 =	sld [smem:$0x3FFE];
	_ =	sdelay $0x1  }
0x8a: {  	s1 =	srdreg.scid  }
0x8b: {  	s0 =	sand.u32 $0x1, s1  }
0x8c: {  	s16 =	sshll.u32 s0, $0xA;
	s2 =	sadd.s32 s3, s2  }
0x8d: {  	s2 =	sadd.s32 s2, s16  }
0x8e: {  	[smem:$0x3FC7] =	sst s2  }
0x8f: {  	_ = 	snop  }
0x90: {  	(tm) =	ssettm $0x1  }
0x91: {  	s17 =	sld [smem:$0x3FFB];
	_ =	sdelay $0x3  }
0x92: {  	_ =	strace s17  }
0x93: {  	s2 =	sld [smem:$0x3FFC];
	_ =	sdelay $0x3  }
0x94: {  	_ =	strace s2  }
0x95: {  	s2 =	sld [smem:$0x3FFD];
	_ =	sdelay $0x3  }
0x96: {  	_ =	strace s2  }
0x97: {  	_ =	strace $0x8FFFFFFF  }
0x98: {  	s18 =	sld [smem:$0x3FDB];
	_ =	sdelay $0x1  }
0x99: {  	s19 =	simm.s32 $_scs_section_size  }
0x9a: {  	s4 =	simm.s32 $_size__tile_overlayer_lowered;
	s5 =	simm.s32 $_tile_overlayer_lowered  }
0x9b: {  	s22 =	simm.s32 $0x1BFF;
	s21 =	sshll.u32 s5, $0x1;
	s2 =	sadd.s32 s19, s18  }
0x9c: {  	s6 =	simm.s32 $0x0;
	s20 =	sshll.u32 s4, $0x1;
	s4 =	sadd.s32 s21, s2  }
0x9d: {  	[timem:s6], [sflag:s22] =	dma.local [hbm:s4], s20  }
0x9e: {  	_ =	swait.ge [sflag:s22], s20  }
0x9f: {  	s3 =	ssub.s32 $0x0, s20;
	[sflag:s22] =	ssyncset.done $0x0  }
0xa0: {  	[sflag:s22] =	ssyncadd.s32 s3;
	_ =	sdelay $0x1  }
0xa1: {  	s23 =	simm.s32 $0x1B8B  }
0xa2: {  	_ =	swait.ge [sflag:s23], $0x1  }
0xa3: {  	[sflag:s23] =	ssyncset.done $0x0  }
0xa4: {  	s25 =	simm.s32 $0x1B8E;
	s24 =	sld [smem:$0x3FFE];
	[sflag:s23] =	ssyncadd.s32 $0xFFFFFFFF  }
0xa5: {  	s26 =	simm.s32 $execute0_lowered;
	[smem:$0x3FD2] =	sst s25  }
0xa6: {  	s4 =	sshll.u32 s26, $0x1;
	_ =	strace $0x80000046;
	[dreg:$0x1] =	wrdreg $0xFFFFFFFF  }
0xa7: {  	s28 =	simm.s32 $_size_execute0_lowered;
	s2 =	sadd.s32 s2, s4;
	[dreg:$0x0] =	wrdreg $0x0  }
0xa8: {  	s4 =	sshll.u32 s28, $0x1;
	[dreg:$0x2] =	wrdreg s2  }
0xa9: {  	[dreg:$0x3] =	wrdreg s4  }
0xaa: {  	[dreg:$0x4] =	wrdreg $0xC0  }
0xab: {  	_ =	task [dreg:s6], $0x5FFFF  }
0xac: {  	[dreg:$0x1] =	wrdreg $0xFFFFFFFF  }
0xad: {  	[dreg:$0x0] =	wrdreg $0x60  }
0xae: {  	[dreg:$0x2] =	wrdreg s24  }
0xaf: {  	[dreg:$0x3] =	wrdreg $0x9  }
0xb0: {  	_ =	task.clear_ibuf [dreg:s6], $0x4FFFF;
	_ =	strace $0x90000046  }
0xb1: {  	s29 =	simm.s32 $0x9;
	_ =	strace $0x80000048  }
0xb2: {  	_ =	swait.ge [sflag:s29], $0x1  }
0xb3: {  	[sflag:s29] =	ssyncadd.s32 $0xFFFFFFFF  }
0xb4: {  	_ =	strace $0x90000048  }
0xb5: {  	_ =	sfence  }
0xb6: {  	s30 =	sld [smem:$0x0];
	_ =	sdelay $0x2  }
0xb7: {  	s31 =	sshll.u32 s1, $0xD;
	s1 =	sshrl.u32 s1, $0x2  }
0xb8: {  	s3 =	sand.u32 $0x4000, s31;
	s1 =	sadd.s32 s1, s30  }
0xb9: {  	s0 =	sor.u32 s3, s0;
	s1 =	sshll.u32 s1, $0x11  }
0xba: {  	s0 =	sor.u32 s1, s0  }
0xbb: {  	s0 =	sadd.s32 $0x8F2B, s0  }
0xbc: {  	[sflag:s0] =	ssyncadd.remote.s32 $0x1  }
0xbd: {  	_ =	sfence.sel $0xFFFF  }
0xbe: {  	[dreg:$0x0] =	wrdreg $0xFFFFFFFF;
	(pc) =	sbr.abs _section_cstart, $3  }
0xbf: {  	[dreg:$0x1] =	wrdreg $0xFFFFFFFF  }
0xc0: {  	_ =	task.clear_ibuf [dreg:s6], $0x2FFFF;
	_ =	strace $0x9FFFFFFF  }
0xc1: {  	(tm) =	ssettm $0x7FFFFFFF  }
tec
execute0_lowered:
.L_overlay_start_1:
0x0: {  	(tag) =	ssettag $0x1  }
0x1: {  	s1 =	srdreg.scid;
	s0 =	stileid.u32  }
0x2: {  	s4 =	rddreg [dreg:$0x0];
	s2 =	simm.s32 $0x0;
	s11 =	simm.s32 $0x18880  }
0x3: {  	s12 =	simm.s32 $0x80000000;
	s3 =	sand.u32 $0x1, s1;
	s30 =	sshll.u32 s0, $0x1  }
0x4: {  	s13 =	simm.s32 $0x19980;
	s14 =	simm.s32 $0x2;
	s5 =	sor.u32 s3, s30  }
0x5: {  	s15 =	simm.s32 $0x0;
	s1 =	rddreg [dreg:$0x1];
	s6 =	smul.u32 $0x18, s5  }
0x6: {  	[smem:$0x7FF] =	sst s2;
	s7 =	ssub.s32 $0x2, s3;
	s5 =	smul.u32 $0x30, s5  }
.Ltmp0:
0x7: {  	_ =	strace $0x80000047;
	s8 =	sshrl.u32 s7, $0x1;
	(pc) =	sbr.rel .LBB2_1-.Ltmp0, $4  }
0x8: {  	s3 =	sadd.s32 $0x400, s4;
	s7 =	ssub.s32 s7, s8;
	s31 =	sshrl.u32 s6, $0x3  }
0x9: {  	s8 =	simm.s32 $0x80;
	s10 =	sadd.s32 s5, s4;
	s9 =	smul.u32 $0xC400, s31  }
0xa: {  	v0 =	vimm.s32 $0x0;
	s5 =	sor.u32 $0x1, s6;
	s7 =	smax.u32 s7, $0x1;
	s6 =	sadd.s32 $0x498400, s10  }
0xb: {  	v1 =	vlaneseq.u32;
	v2 =	vimm.s32 $0x1;
	vm13 =	vcmask $0x704;
	s10 =	simm.s32 $0x1;
	s4 =	sadd.s32 s3, s9;
	s9 =	simm.s32 $0x400  }
.LBB2_29:
0xc: {  	s15 =	sadd.s32 $0x1, s15  }
0xd: {  	p0 =	sne.s32 s15, s7  }
.Ltmp1:
0xe: {  	_ = 	snop;
	(pc) =	sbr.rel @!p0 .LBB2_30-.Ltmp1, $4  }
0xf: {  	[hbm4b:s6+s2] =	stream.linear.scatter [tilespmem:s13], [sflag:$0x2], $0x180, $0x38;
	[tilespmem:$0x19B00] =	vst v63  }
0x10: {  	_ =	swait.ge [sflag:s14], $0x180  }
0x11: {  	[sflag:s14] =	ssyncset.done $0x0  }
0x12: {  	[sflag:s14] =	ssyncadd.s32 $0xFFFFFE80  }
.LBB2_1:
0x13: {  	s16 =	simm.s32 $0x188A0  }
0x14: {  	[tilespmem:s16+$0xFFFFFFE0] =	vst v0  }
0x15: {  	[tilespmem:s16+$0x10] =	vst v0  }
0x16: {  	s17 =	simm.s32 $0x0;
	[tilespmem:s16+$0x0] =	vst v0  }
.LBB2_2:
0x17: {  	s17 =	sadd.s32 $0x4, s17  }
0x18: {  	[tilespmem:s16+$0xFFFFFFF0] =	vst v0;
	s16 =	sadd.s32 $0x40, s16;
	p0 =	slt.u32 s17, $0xFC  }
.Ltmp2:
0x19: {  	[tilespmem:s16+$0xFFFFFFE0] =	vst v0;
	(pc) =	sbr.rel @p0 .LBB2_2-.Ltmp2, $3  }
0x1a: {  	_ =	sdelay $0x1  }
0x1b: {  	[tilespmem:s16+$0x10] =	vst v0  }
0x1c: {  	[tilespmem:s16+$0x0] =	vst v0  }
.Ltmp3:
0x1d: {  	(pc) =	sbr.rel .LBB2_4-.Ltmp3, $3  }
0x1e: {  	_ =	sdelay $0x1  }
0x1f: {  	[tilespmem:s16+$0xFFFFFFF0] =	vst v0;
	s16 =	simm.s32 $0x0;
	s18 =	simm.s32 $0xFFFFFFFF;
	s19 =	simm.s32 $0x0  }
0x20: {  	[tilespmem:s16], [sflag:$0x1] =	stream.strided.gather [hbm4b:s4+s8], $0xC400, s9, s8, $0x38;
	[tilespmem:$0x19B00] =	vst v63  }
.LBB2_27:
0x21: {  	v7 =	vimm.s32 $0x0;
	v8 =	vimm.f32 $0.0e+00  }
.LBB2_28:
0x22: {  	(xrf2) =	vadd.scan.msk.f32 $0xffff, v8;
	vm0 =	vgt.s32 v6, $0xFFFFFFFF  }
0x23: {  	v3 =	vsel vm0, $0xFFFFFFFF, v18  }
0x24: {  	vm11 =	vmmov $0x1;
	v3 =	vxor.u32 v6, v3  }
0x25: {  	v3 =	vnsel vm11, $0x0, v3  }
0x26: {  	(xrf2) =	vadd.scan.msk.f32 $0xffff, v3  }
0x27: {  	(xrf0) =	vadd.scan.msk.s32 $0xffff, v7;
	_ =	sdelay $0x4  }
0x28: {  	v3, _, _ =	vpop (xrf2)  }
0x29: {  	(v2sf) =	vpush v3, $0xF;
	v3, _, _ =	vpop (xrf0)  }
0x2a: {  	(v2sf) =	vpush v3, $0xF;
	_ =	sdelay $0x1  }
0x2b: {  	v3, _, _ =	vpop (xrf2)  }
0x2c: {  	(v2sf) =	vpush v3, $0xF;
	_ =	sdelay $0x4  }
0x2d: {  	(xrf2) =	vadd.scan.msk.f32 $0xffff, v4  }
0x2e: {  	(xrf2) =	vadd.scan.msk.f32 $0xffff, v5;
	_ =	sdelay $0x4  }
0x2f: {  	s20 =	spop (v2sf)  }
0x30: {  	s21 =	spop (v2sf)  }
0x31: {  	s21 =	ssub.s32 $0x2F0, s21  }
0x32: {  	s21 =	scvt.s32.f32 s21  }
0x33: {  	v3, _, _ =	vpop (xrf2);
	s22 =	spop (v2sf)  }
0x34: {  	v62, _, _ =	vpop (xrf2);
	s21 =	smul.f32 s21, s22  }
0x35: {  	v3 =	vbroadcast v3, $0xF;
	v4 =	vbroadcast v62, $0xF  }
0x36: {  	s20 =	sadd.f32 s21, s20  }
0x37: {  	p0 =	seq.s32 s19, $0x18;
	v3 =	vnsel vm11, $0x0, v3;
	v4 =	vnsel vm13, $0x0, v4  }
.Ltmp4:
0x38: {  	v3 =	vadd.f32 v4, v3;
	v63 =	vmov s20;
	(pc) =	sbr.rel @p0 .LBB2_29-.Ltmp4, $4  }
0x39: {  	v4 =	vnsel vm6, $0x0, v63  }
0x3a: {  	s17 =	sshll.u32 s17, $0x4;
	v3 =	vadd.f32 v4, v3  }
0x3b: {  	s17 =	sand.u32 $0x3FFFFFF0, s17  }
0x3c: {  	s18 =	sand.u32 $0xFF000000, s18;
	[tilespmem:s17+$0x19980] =	vst v3  }
.LBB2_4:
0x3d: {  	_ =	swait.ge [sflag:s10], $0xC400  }
0x3e: {  	[sflag:s10] =	ssyncset.done $0x0  }
0x3f: {  	s17 =	simm.s32 $0x80;
	[sflag:s10] =	ssyncadd.s32 $0xFFFF3C00  }
0x40: {  	v4 =	vld [tilespmem:s17+$0x70]  }
0x41: {  	v5 =	vld [tilespmem:s17+$0x60]  }
0x42: {  	v6 =	vld [tilespmem:s17+$0x50]  }
0x43: {  	v7 =	vld [tilespmem:s17+$0x40]  }
0x44: {  	v10 =	vld [tilespmem:s17+$0x30]  }
0x45: {  	v14 =	vld [tilespmem:s17+$0x10]  }
0x46: {  	v15 =	vld [tilespmem:s17+$0xFFFFFFB0]  }
0x47: {  	v20 =	vld [tilespmem:s17+$0xFFFFFFA0]  }
0x48: {  	v28 =	vld [tilespmem:s17+$0xFFFFFF90]  }
0x49: {  	v21 =	vld [tilespmem:s17+$0xFFFFFF80]  }
0x4a: {  	v16 =	vld [tilespmem:s17+$0xFFFFFFF0]  }
0x4b: {  	v18 =	vld [tilespmem:s17+$0xFFFFFFD0]  }
0x4c: {  	v17 =	vmov s18;
	v22 =	vimm.f32 $0.0e+00;
	v24 =	vmul.f32 v15, v15  }
0x4d: {  	v31 =	vmul.f32 v20, v20;
	v36 =	vmul.f32 v28, v28;
	v8 =	vshra.s32 v5, $0x1F  }
0x4e: {  	v9 =	vshra.s32 v4, $0x1F;
	v13 =	vshra.s32 v6, $0x1F;
	v19 =	vshra.s32 v10, $0x1F  }
0x4f: {  	v27 =	vshra.s32 v7, $0x1F;
	v29 =	vshra.s32 v16, $0x1F;
	v33 =	vshra.s32 v14, $0x1F  }
0x50: {  	v34 =	vshra.s32 v15, $0x1F;
	v38 =	vshra.s32 v18, $0x1F;
	v39 =	vshra.s32 v21, $0x1F  }
0x51: {  	v41 =	vshra.s32 v28, $0x1F;
	v9 =	vor.u32 $0x80000000, v9;
	v45 =	vor.u32 $0x80000000, v8  }
0x52: {  	v19 =	vor.u32 $0x80000000, v19;
	v46 =	vor.u32 $0x80000000, v27;
	v13 =	vor.u32 $0x80000000, v13  }
0x53: {  	v27 =	vor.u32 $0x80000000, v33;
	v48 =	vor.u32 $0x80000000, v34;
	v49 =	vor.u32 $0x80000000, v38  }
0x54: {  	v29 =	vor.u32 $0x80000000, v29;
	v41 =	vor.u32 $0x80000000, v41;
	v8 =	vxor.u32 v4, v9  }
0x55: {  	v42 =	vor.u32 $0x80000000, v39;
	v9 =	vxor.u32 v6, v13;
	vm14 =	vge.u32 v8, v17  }
0x56: {  	v13 =	vxor.u32 v10, v19;
	vm15 =	vge.u32 v9, v17;
	v50 =	vsel vm14, $0x1, v0  }
0x57: {  	v19 =	vxor.u32 v14, v27;
	vm2 =	vge.u32 v13, v17;
	v27 =	vsel vm15, $0x1, v0;
	(xrf0) =	vadd.scan.msk.s32 $0xffff, v50  }
0x58: {  	v11 =	vld [tilespmem:s17+$0x20];
	v29 =	vxor.u32 v16, v29;
	vm0 =	vge.u32 v19, v17;
	v51 =	vsel vm2, $0x1, v0;
	(xrf0) =	vadd.scan.msk.s32 $0xffff, v27  }
0x59: {  	v23 =	vld [tilespmem:s17+$0x0];
	v34 =	vxor.u32 v18, v49;
	vm1 =	vge.u32 v29, v17;
	v27 =	vsel vm0, $0x1, v0;
	(xrf0) =	vadd.scan.msk.s32 $0xffff, v51  }
0x5a: {  	v39 =	vxor.u32 v28, v41;
	vm3 =	vge.u32 v34, v17;
	v52 =	vsel vm1, $0x1, v0;
	(xrf0) =	vadd.scan.msk.s32 $0xffff, v27  }
0x5b: {  	v12 =	vld [tilespmem:s17+$0xFFFFFFE0];
	v38 =	vxor.u32 v15, v48;
	vm5 =	vge.u32 v39, v17;
	v27 =	vsel vm3, $0x1, v0;
	(xrf0) =	vadd.scan.msk.s32 $0xffff, v52  }
0x5c: {  	v25 =	vld [tilespmem:s17+$0xFFFFFFC0];
	v40 =	vshra.s32 v20, $0x1F;
	vm4 =	vge.u32 v38, v17;
	(xrf0) =	vadd.scan.msk.s32 $0xffff, v27;
	v27 =	vsel vm5, $0x1, v0  }
0x5d: {  	v26 =	vmul.f32 v21, v21;
	v40 =	vor.u32 $0x80000000, v40;
	v54 =	vsel vm4, $0x1, v0  }
0x5e: {  	v30 =	vshra.s32 v11, $0x1F;
	v32 =	vshra.s32 v23, $0x1F;
	v43 =	vxor.u32 v20, v40;
	(xrf0) =	vadd.scan.msk.s32 $0xffff, v54;
	v55, _, _ =	vpop (xrf0)  }
0x5f: {  	v53 =	vxor.u32 v21, v42;
	vm10 =	vge.u32 v43, v17;
	(xrf0) =	vadd.scan.msk.s32 $0xffff, v27;
	(v2sf) =	vpush v55, $0xF;
	v27, _, _ =	vpop (xrf0)  }
0x60: {  	vm6 =	vge.u32 v53, v17;
	(v2sf) =	vpush v27, $0xF;
	v27 =	vsel vm10, $0x1, v0  }
0x61: {  	v35 =	vshra.s32 v12, $0x1F;
	v37 =	vshra.s32 v25, $0x1F;
	v56 =	vsel vm6, $0x1, v0;
	v57, _, _ =	vpop (xrf0)  }
0x62: {  	v47 =	vadd.f32 v21, v22;
	v37 =	vor.u32 $0x80000000, v37;
	(xrf0) =	vadd.scan.msk.s32 $0xffff, v56;
	v58, _, _ =	vpop (xrf0);
	(v2sf) =	vpush v57, $0xF  }
0x63: {  	v35 =	vor.u32 $0x80000000, v35;
	v30 =	vor.u32 $0x80000000, v30;
	(xrf0) =	vadd.scan.msk.s32 $0xffff, v27;
	(v2sf) =	vpush v58, $0xF;
	v27, _, _ =	vpop (xrf0)  }
0x64: {  	v44 =	vxor.u32 v25, v37;
	(v2sf) =	vpush v27, $0xF;
	v27 =	vor.u32 $0x80000000, v32  }
0x65: {  	v42 =	vxor.u32 v12, v35;
	v40 =	vxor.u32 v11, v30;
	v48 =	vadd.f32 v26, v22;
	v60, _, _ =	vpop (xrf0)  }
0x66: {  	vm9 =	vge.u32 v44, v17;
	v61, _, _ =	vpop (xrf0);
	(v2sf) =	vpush v60, $0xF;
	v41 =	vxor.u32 v23, v27  }
0x67: {  	vm7 =	vge.u32 v42, v17;
	[tilespmem:s16+$0xC400] =	vst.msk vm6, v53;
	(v2sf) =	vpush v61, $0xF;
	vm6 =	vge.u32 v41, v17;
	v27, _, _ =	vpop (xrf0)  }
0x68: {  	v22 =	vmovc v5;
	v21 =	vmovc v4;
	v59 =	vsel vm9, $0x1, v0;
	(v2sf) =	vpush v27, $0xF;
	v27 =	vsel vm6, $0x1, v0  }
0x69: {  	vm8 =	vge.u32 v40, v17;
	v33 =	vmovc v14;
	v62 =	vsel vm7, $0x1, v0;
	v26 =	vmov v6;
	(xrf0) =	vadd.scan.msk.s32 $0xffff, v59  }
0x6a: {  	s20 =	simm.s32 $0x180;
	v30 =	vmov v10;
	v37 =	vmov v16;
	v35 =	vmov v23;
	(xrf0) =	vadd.scan.msk.s32 $0xffff, v62;
	v63, _, _ =	vpop (xrf0)  }
0x6b: {  	s21 =	simm.s32 $0x0;
	s17 =	smov.u32 s19;
	s19 =	simm.s32 $0x0;
	v32 =	vmov v11;
	(v2sf) =	vpush v63, $0xF;
	v49, _, _ =	vpop (xrf0);
	(xrf0) =	vadd.scan.msk.s32 $0xffff, v27;
	v27 =	vmov v7  }
.LBB2_5:
0x6c: {  	v50 =	vmov v23;
	v53 =	vmov v11;
	v55 =	vmov v14  }
0x6d: {  	v23 =	vmovc v7;
	v57 =	vmovc v10;
	v54 =	vmov v5;
	v56 =	vmov v6;
	v11 =	vmov v4  }
0x6e: {  	v6 =	vsel vm8, $0x1, v0;
	v51 =	vxor.u32 v27, v46;
	v4 =	vld [tilespmem:s20+$0x70];
	(v2sf) =	vpush v49, $0xF  }
0x6f: {  	v10 =	vadd.f32 v28, v47;
	v14 =	vadd.f32 v36, v48;
	vm12 =	vge.u32 v51, v17;
	v5 =	vld [tilespmem:s20+$0x60];
	v7, _, _ =	vpop (xrf0);
	(xrf0) =	vadd.scan.msk.s32 $0xffff, v6  }
0x70: {  	v49 =	vxor.u32 v22, v45;
	v28 =	vsel vm12, $0x1, v0;
	v6 =	vld [tilespmem:s20+$0x50];
	(v2sf) =	vpush v7, $0xF  }
0x71: {  	vm11 =	vge.u32 v49, v17;
	v20 =	vadd.f32 v20, v10;
	v14 =	vadd.f32 v31, v14;
	v7 =	vld [tilespmem:s20+$0x40];
	v31, _, _ =	vpop (xrf0);
	(xrf0) =	vadd.scan.msk.s32 $0xffff, v28  }
0x72: {  	v52 =	vmul.f32 v11, v21;
	v28 =	vsel vm11, $0x1, v0;
	v10 =	vld [tilespmem:s20+$0x30];
	(v2sf) =	vpush v31, $0xF  }
0x73: {  	v20 =	vadd.f32 v15, v20;
	v24 =	vadd.f32 v24, v14;
	v31 =	vmul.f32 v25, v25;
	v11 =	vld [tilespmem:s20+$0x20];
	v15, _, _ =	vpop (xrf0);
	(xrf0) =	vadd.scan.msk.s32 $0xffff, v28;
	s22 =	spop (v2sf)  }
0x74: {  	v56 =	vmul.f32 v56, v26;
	v54 =	vmul.f32 v54, v22;
	v14 =	vld [tilespmem:s20+$0x10];
	(v2sf) =	vpush v15, $0xF;
	s23 =	spop (v2sf)  }
0x75: {  	v3 =	vmul.f32 v18, v18;
	v25 =	vadd.f32 v25, v20;
	v24 =	vadd.f32 v31, v24;
	v15 =	vld [tilespmem:s20+$0xFFFFFFB0];
	v28, _, _ =	vpop (xrf0);
	s24 =	spop (v2sf)  }
0x76: {  	v45 =	vmul.f32 v57, v30;
	v46 =	vmul.f32 v23, v27;
	v20 =	vld [tilespmem:s20+$0xFFFFFFA0];
	s25 =	spop (v2sf);
	(v2sf) =	vpush v28, $0xF  }
0x77: {  	v18 =	vadd.f32 v18, v25;
	v24 =	vadd.f32 v3, v24;
	v25 =	vmul.f32 v12, v12;
	v28 =	vld [tilespmem:s20+$0xFFFFFF90];
	s26 =	spop (v2sf);
	v31, _, _ =	vpop (xrf0)  }
0x78: {  	v55 =	vmul.f32 v55, v33;
	v57 =	vmul.f32 v53, v32;
	v23 =	vld [tilespmem:s20+$0x0];
	s28 =	spop (v2sf);
	(v2sf) =	vpush v31, $0xF  }
0x79: {  	v36 =	vmul.f32 v37, v16;
	v18 =	vadd.f32 v12, v18;
	v25 =	vadd.f32 v25, v24;
	v47 =	vld [tilespmem:s20+$0xFFFFFF80];
	s29 =	spop (v2sf);
	v12, _, _ =	vpop (xrf0)  }
0x7a: {  	v48 =	vmul.f32 v50, v35;
	v24 =	vmul.f32 v15, v15;
	v37 =	vld [tilespmem:s20+$0xFFFFFFF0];
	s30 =	spop (v2sf);
	(v2sf) =	vpush v12, $0xF  }
0x7b: {  	v16 =	vadd.f32 v16, v18;
	v50 =	vadd.f32 v36, v25;
	v31 =	vmul.f32 v20, v20;
	v12 =	vld [tilespmem:s20+$0xFFFFFFE0];
	s31 =	spop (v2sf)  }
0x7c: {  	v59 =	vshra.s32 v4, $0x1F;
	v58 =	vshra.s32 v5, $0x1F;
	v36 =	vmul.f32 v28, v28;
	v18 =	vld [tilespmem:s20+$0xFFFFFFD0];
	s21 =	sadd.s32 s21, s31  }
0x7d: {  	v60 =	vshra.s32 v6, $0x1F;
	v3 =	vadd.f32 v35, v16;
	v25 =	vld [tilespmem:s20+$0xFFFFFFC0];
	[tilespmem:s21+$0xC400] =	vst.msk vm5, v39;
	s21 =	sadd.s32 s21, s30;
	v39 =	vadd.f32 v48, v50;
	s30 =	spop (v2sf);
	v35 =	vmovc v23  }
0x7e: {  	v62 =	vshra.s32 v7, $0x1F;
	v61 =	vshra.s32 v10, $0x1F;
	v48 =	vmul.f32 v47, v47;
	[tilespmem:s21+$0xC400] =	vst.msk vm10, v43;
	s21 =	sadd.s32 s21, s30  }
0x7f: {  	v50 =	vshra.s32 v11, $0x1F;
	[tilespmem:s21+$0xC400] =	vst.msk vm4, v38;
	s21 =	sadd.s32 s21, s29;
	v38 =	vadd.f32 v33, v3;
	v39 =	vadd.f32 v55, v39;
	s29 =	spop (v2sf);
	v33 =	vmovc v14  }
0x80: {  	v53 =	vshra.s32 v35, $0x1F;
	v43 =	vshra.s32 v37, $0x1F;
	v16 =	vmovc v37;
	v63 =	vshra.s32 v33, $0x1F;
	[tilespmem:s21+$0xC400] =	vst.msk vm9, v44;
	s21 =	sadd.s32 s21, s29  }
0x81: {  	v55 =	vshra.s32 v12, $0x1F;
	[tilespmem:s21+$0xC400] =	vst.msk vm3, v34;
	s21 =	sadd.s32 s21, s28;
	v34 =	vadd.f32 v32, v38;
	v38 =	vadd.f32 v57, v39;
	s28 =	spop (v2sf);
	v32 =	vmovc v11  }
0x82: {  	v39 =	vshra.s32 v15, $0x1F;
	v57 =	vshra.s32 v18, $0x1F;
	v44 =	vshra.s32 v25, $0x1F;
	[tilespmem:s21+$0xC400] =	vst.msk vm7, v42;
	s21 =	sadd.s32 s21, s28  }
0x83: {  	v42 =	vshra.s32 v20, $0x1F;
	[tilespmem:s21+$0xC400] =	vst.msk vm1, v29;
	s21 =	sadd.s32 s21, s26;
	v29 =	vadd.f32 v30, v34;
	v34 =	vadd.f32 v45, v38;
	s26 =	spop (v2sf);
	v30 =	vmovc v10  }
0x84: {  	v59 =	vor.u32 $0x80000000, v59;
	v3 =	vshra.s32 v28, $0x1F;
	v38 =	vshra.s32 v47, $0x1F;
	[tilespmem:s21+$0xC400] =	vst.msk vm6, v41;
	s21 =	sadd.s32 s21, s26  }
0x85: {  	v45 =	vor.u32 $0x80000000, v58;
	[tilespmem:s21+$0xC400] =	vst.msk vm0, v19;
	s21 =	sadd.s32 s21, s25;
	v19 =	vadd.f32 v27, v29;
	v29 =	vadd.f32 v46, v34;
	s25 =	spop (v2sf);
	v27 =	vmovc v7  }
0x86: {  	v41 =	vor.u32 $0x80000000, v60;
	v34 =	vor.u32 $0x80000000, v61;
	v46 =	vor.u32 $0x80000000, v62;
	[tilespmem:s21+$0xC400] =	vst.msk vm8, v40;
	s21 =	sadd.s32 s21, s25  }
0x87: {  	v40 =	vor.u32 $0x80000000, v63;
	[tilespmem:s21+$0xC400] =	vst.msk vm2, v13;
	s21 =	sadd.s32 s21, s24;
	v13 =	vadd.f32 v26, v19;
	v19 =	vadd.f32 v56, v29;
	s24 =	spop (v2sf);
	v26 =	vmovc v6  }
0x88: {  	v39 =	vor.u32 $0x80000000, v39;
	v56 =	vor.u32 $0x80000000, v57;
	v29 =	vor.u32 $0x80000000, v43;
	[tilespmem:s21+$0xC400] =	vst.msk vm12, v51;
	s21 =	sadd.s32 s21, s24  }
0x89: {  	v3 =	vor.u32 $0x80000000, v3;
	[tilespmem:s21+$0xC400] =	vst.msk vm15, v9;
	s21 =	sadd.s32 s21, s23;
	v13 =	vadd.f32 v22, v13;
	v19 =	vadd.f32 v54, v19;
	s23 =	spop (v2sf);
	v22 =	vmovc v5  }
0x8a: {  	v43 =	vor.u32 $0x80000000, v38;
	v38 =	vxor.u32 v4, v59;
	v9 =	vxor.u32 v26, v41;
	[tilespmem:s21+$0xC400] =	vst.msk vm11, v49;
	s21 =	sadd.s32 s21, s23  }
0x8b: {  	s19 =	sadd.s32 $0x10, s19;
	[tilespmem:s21+$0xC400] =	vst.msk vm14, v8;
	vm14 =	vge.u32 v38, v17;
	s21 =	sadd.s32 s21, s22;
	v49 =	vadd.f32 v21, v13;
	v51 =	vadd.f32 v52, v19  }
0x8c: {  	p0 =	slt.u32 s19, $0xC30;
	vm15 =	vge.u32 v9, v17;
	v13 =	vxor.u32 v30, v34;
	v21 =	vmovc v4;
	v8 =	vmovc v38;
	v34 =	vsel vm14, $0x1, v0  }
0x8d: {  	v19 =	vxor.u32 v33, v40;
	v38 =	vsel vm15, $0x1, v0;
	vm2 =	vge.u32 v13, v17;
	(xrf0) =	vadd.scan.msk.s32 $0xffff, v34  }
0x8e: {  	v29 =	vxor.u32 v16, v29;
	vm0 =	vge.u32 v19, v17;
	v40 =	vsel vm2, $0x1, v0;
	(xrf0) =	vadd.scan.msk.s32 $0xffff, v38  }
0x8f: {  	vm1 =	vge.u32 v29, v17;
	v34 =	vxor.u32 v18, v56;
	v41 =	vsel vm0, $0x1, v0;
	(xrf0) =	vadd.scan.msk.s32 $0xffff, v40  }
0x90: {  	v38 =	vxor.u32 v15, v39;
	vm3 =	vge.u32 v34, v17;
	v40 =	vsel vm1, $0x1, v0;
	(xrf0) =	vadd.scan.msk.s32 $0xffff, v41  }
0x91: {  	v39 =	vxor.u32 v28, v3;
	vm4 =	vge.u32 v38, v17;
	v3 =	vsel vm3, $0x1, v0;
	(xrf0) =	vadd.scan.msk.s32 $0xffff, v40  }
0x92: {  	vm5 =	vge.u32 v39, v17;
	v40 =	vxor.u32 v47, v43;
	v43 =	vsel vm4, $0x1, v0;
	(xrf0) =	vadd.scan.msk.s32 $0xffff, v3  }
0x93: {  	v56 =	vor.u32 $0x80000000, v42;
	v54 =	vsel vm5, $0x1, v0;
	vm6 =	vge.u32 v40, v17;
	(xrf0) =	vadd.scan.msk.s32 $0xffff, v43;
	v41, _, _ =	vpop (xrf0)  }
0x94: {  	v52 =	vsel vm6, $0x1, v0;
	v43 =	vxor.u32 v20, v56;
	(xrf0) =	vadd.scan.msk.s32 $0xffff, v54;
	v3, _, _ =	vpop (xrf0);
	(v2sf) =	vpush v41, $0xF  }
0x95: {  	vm10 =	vge.u32 v43, v17;
	v41 =	vor.u32 $0x80000000, v44;
	(xrf0) =	vadd.scan.msk.s32 $0xffff, v52;
	v42, _, _ =	vpop (xrf0);
	(v2sf) =	vpush v3, $0xF  }
0x96: {  	v52 =	vsel vm10, $0x1, v0;
	v44 =	vxor.u32 v25, v41;
	[tilespmem:s21+$0xC400] =	vst.msk vm6, v40;
	v40, _, _ =	vpop (xrf0);
	(v2sf) =	vpush v42, $0xF  }
0x97: {  	v54 =	vor.u32 $0x80000000, v55;
	vm9 =	vge.u32 v44, v17;
	(xrf0) =	vadd.scan.msk.s32 $0xffff, v52;
	v3, _, _ =	vpop (xrf0);
	(v2sf) =	vpush v40, $0xF  }
0x98: {  	v42 =	vxor.u32 v12, v54;
	v40 =	vsel vm9, $0x1, v0;
	v41, _, _ =	vpop (xrf0);
	(v2sf) =	vpush v3, $0xF  }
.Ltmp5:
0x99: {  	v53 =	vor.u32 $0x80000000, v53;
	vm7 =	vge.u32 v42, v17;
	v52, _, _ =	vpop (xrf0);
	(xrf0) =	vadd.scan.msk.s32 $0xffff, v40;
	(v2sf) =	vpush v41, $0xF;
	(pc) =	sbr.rel @p0 .LBB2_5-.Ltmp5, $4  }
0x9a: {  	v40 =	vsel vm7, $0x1, v0;
	v41 =	vxor.u32 v35, v53;
	v3, _, _ =	vpop (xrf0);
	(v2sf) =	vpush v52, $0xF  }
0x9b: {  	v50 =	vor.u32 $0x80000000, v50;
	vm6 =	vge.u32 v41, v17;
	v52, _, _ =	vpop (xrf0);
	(v2sf) =	vpush v3, $0xF;
	(xrf0) =	vadd.scan.msk.s32 $0xffff, v40  }
0x9c: {  	v3 =	vsel vm6, $0x1, v0;
	v40 =	vxor.u32 v32, v50;
	(v2sf) =	vpush v52, $0xF  }
0x9d: {  	s20 =	sadd.s32 $0x100, s20;
	v48 =	vadd.f32 v48, v51;
	v47 =	vadd.f32 v47, v49;
	vm8 =	vge.u32 v40, v17;
	v49, _, _ =	vpop (xrf0);
	(xrf0) =	vadd.scan.msk.s32 $0xffff, v3  }
0x9e: {  	v3 =	vsel vm8, $0x1, v0;
	v46 =	vxor.u32 v27, v46;
	(v2sf) =	vpush v49, $0xF  }
0x9f: {  	v63, _, _ =	vpop (xrf0);
	(xrf0) =	vadd.scan.msk.s32 $0xffff, v3;
	vm12 =	vge.u32 v46, v17  }
0xa0: {  	v45 =	vxor.u32 v22, v45;
	(v2sf) =	vpush v63, $0xF;
	v3 =	vsel vm12, $0x1, v0  }
0xa1: {  	vm11 =	vge.u32 v45, v17;
	v50, _, _ =	vpop (xrf0);
	(xrf0) =	vadd.scan.msk.s32 $0xffff, v3  }
0xa2: {  	v3 =	vsel vm11, $0x1, v0;
	(v2sf) =	vpush v50, $0xF  }
0xa3: {  	v53, _, _ =	vpop (xrf0);
	(xrf0) =	vadd.scan.msk.s32 $0xffff, v3;
	s19 =	spop (v2sf)  }
0xa4: {  	(v2sf) =	vpush v53, $0xF;
	s20 =	spop (v2sf)  }
0xa5: {  	v28 =	vadd.f32 v28, v47;
	v36 =	vadd.f32 v36, v48;
	v56, _, _ =	vpop (xrf0);
	s22 =	spop (v2sf)  }
0xa6: {  	s23 =	spop (v2sf);
	(v2sf) =	vpush v56, $0xF  }
0xa7: {  	v51 =	vadd.f32 v20, v28;
	v52 =	vadd.f32 v31, v36;
	s24 =	spop (v2sf);
	v58, _, _ =	vpop (xrf0)  }
0xa8: {  	s25 =	spop (v2sf);
	(v2sf) =	vpush v58, $0xF  }
0xa9: {  	v55 =	vmul.f32 v25, v25;
	v3 =	vadd.f32 v15, v51;
	v54 =	vadd.f32 v24, v52;
	s26 =	spop (v2sf);
	v60, _, _ =	vpop (xrf0)  }
0xaa: {  	s28 =	spop (v2sf);
	(v2sf) =	vpush v60, $0xF  }
0xab: {  	v57 =	vmul.f32 v18, v18;
	v3 =	vadd.f32 v25, v3;
	v15 =	vadd.f32 v55, v54;
	s29 =	spop (v2sf)  }
0xac: {  	s21 =	sadd.s32 s21, s29  }
0xad: {  	v59 =	vmul.f32 v12, v12;
	v3 =	vadd.f32 v18, v3;
	v15 =	vadd.f32 v57, v15;
	s28 =	sadd.s32 s21, s28;
	s31 =	spop (v2sf)  }
0xae: {  	s29 =	sadd.s32 s28, s31  }
0xaf: {  	v62 =	vmul.f32 v37, v16;
	v3 =	vadd.f32 v12, v3;
	v61 =	vadd.f32 v59, v15;
	[tilespmem:s21+$0xC400] =	vst.msk vm5, v39;
	s21 =	sadd.s32 s29, s26;
	s30 =	spop (v2sf)  }
0xb0: {  	s26 =	sadd.s32 s21, s30  }
0xb1: {  	v63 =	vmul.f32 v23, v35;
	v3 =	vadd.f32 v16, v3;
	v12 =	vadd.f32 v62, v61;
	s25 =	sadd.s32 s26, s25;
	s31 =	spop (v2sf)  }
0xb2: {  	[tilespmem:s28+$0xC400] =	vst.msk vm10, v43;
	s28 =	sadd.s32 s25, s31  }
0xb3: {  	v14 =	vmul.f32 v14, v33;
	v3 =	vadd.f32 v35, v3;
	v12 =	vadd.f32 v63, v12;
	[tilespmem:s29+$0xC400] =	vst.msk vm4, v38;
	s24 =	sadd.s32 s28, s24;
	s29 =	spop (v2sf)  }
0xb4: {  	s30 =	sadd.s32 s24, s29  }
0xb5: {  	v11 =	vmul.f32 v11, v32;
	v3 =	vadd.f32 v33, v3;
	v12 =	vadd.f32 v14, v12;
	[tilespmem:s26+$0xC400] =	vst.msk vm3, v34;
	s31 =	sadd.s32 s30, s23;
	s26 =	spop (v2sf)  }
0xb6: {  	s23 =	sadd.s32 s31, s26  }
0xb7: {  	v10 =	vmul.f32 v10, v30;
	v3 =	vadd.f32 v32, v3;
	v11 =	vadd.f32 v11, v12;
	[tilespmem:s28+$0xC400] =	vst.msk vm1, v29;
	s22 =	sadd.s32 s23, s22;
	s28 =	spop (v2sf)  }
0xb8: {  	[tilespmem:s21+$0xC400] =	vst.msk vm9, v44;
	s29 =	sadd.s32 s22, s28  }
0xb9: {  	v7 =	vmul.f32 v7, v27;
	v3 =	vadd.f32 v30, v3;
	v10 =	vadd.f32 v10, v11;
	[tilespmem:s30+$0xC400] =	vst.msk vm0, v19;
	s20 =	sadd.s32 s29, s20;
	s30 =	spop (v2sf)  }
0xba: {  	[tilespmem:s31+$0xC400] =	vst.msk vm8, v40;
	s31 =	sadd.s32 s20, s30  }
0xbb: {  	v6 =	vmul.f32 v6, v26;
	[tilespmem:s25+$0xC400] =	vst.msk vm7, v42;
	v3 =	vadd.f32 v27, v3;
	v7 =	vadd.f32 v7, v10;
	s19 =	sadd.s32 s31, s19  }
0xbc: {  	[tilespmem:s24+$0xC400] =	vst.msk vm6, v41;
	p0 =	sgt.s32 s19, $0x2EF  }
.Ltmp6:
0xbd: {  	v5 =	vmul.f32 v5, v22;
	[tilespmem:s23+$0xC400] =	vst.msk vm2, v13;
	v3 =	vadd.f32 v26, v3;
	v6 =	vadd.f32 v6, v7;
	(pc) =	sbr.rel @p0 .LBB2_16-.Ltmp6, $4  }
0xbe: {  	[tilespmem:s22+$0xC400] =	vst.msk vm12, v46  }
0xbf: {  	v7 =	vmul.f32 v4, v21;
	[tilespmem:s29+$0xC400] =	vst.msk vm15, v9;
	v3 =	vadd.f32 v22, v3;
	v5 =	vadd.f32 v5, v6  }
0xc0: {  	[tilespmem:s20+$0xC400] =	vst.msk vm11, v45  }
0xc1: {  	[tilespmem:s31+$0xC400] =	vst.msk vm14, v8;
	v4 =	vadd.f32 v21, v3;
	v5 =	vadd.f32 v7, v5;
	vm14 =	vcmask $0x3734  }
0xc2: {  	s19 =	simm.s32 $0x40  }
0xc3: {  	v3 =	vld [tilespmem:s19+$0x30]  }
0xc4: {  	v6 =	vld [tilespmem:s19+$0xFFFFFFE0]  }
0xc5: {  	v9 =	vld [tilespmem:s19+$0x0];
	_ =	sdelay $0x1  }
0xc6: {  	vm2 =	vcmask $0xB08;
	vm7 =	vcmask $0x1F1C;
	v11 =	vld [tilespmem:s19+$0x20]  }
0xc7: {  	vm8 =	vcmask $0x2320;
	vm9 =	vcmask $0x2724;
	vm10 =	vcmask $0x2B28;
	v12 =	vld [tilespmem:s19+$0xFFFFFFF0]  }
0xc8: {  	vm11 =	vcmask $0x2F2C;
	vm12 =	vcmask $0x3330;
	v8 =	vshra.s32 v6, $0x1F  }
0xc9: {  	v13 =	vshra.s32 v9, $0x1F;
	v14 =	vshra.s32 v3, $0x1F;
	v8 =	vor.u32 $0x80000000, v8  }
0xca: {  	v7 =	vld [tilespmem:s19+$0xFFFFFFC0];
	v14 =	vor.u32 $0x80000000, v14;
	v10 =	vxor.u32 v6, v8;
	v6 =	vor.u32 $0x80000000, v13  }
0xcb: {  	vm15 =	vcmask $0x3B38;
	v8 =	vld [tilespmem:s19+$0x10];
	v3 =	vxor.u32 v3, v14;
	v6 =	vxor.u32 v9, v6  }
0xcc: {  	v14 =	vshra.s32 v12, $0x1F;
	v9 =	vshra.s32 v11, $0x1F;
	v6 =	vshrl.u32 v6, $0x14  }
0xcd: {  	v3 =	vshrl.u32 v3, $0x14;
	v9 =	vor.u32 $0x80000000, v9;
	v6 =	vand.u32 $0xFF0, v6  }
0xce: {  	v15 =	vor.u32 $0x80000000, v14;
	v9 =	vxor.u32 v11, v9;
	v11 =	vor.u32 v1, v6;
	v6 =	vld [tilespmem:s19+$0xFFFFFFD0]  }
0xcf: {  	v13 =	vshra.s32 v7, $0x1F;
	v3 =	vand.u32 $0xFF0, v3;
	v12 =	vxor.u32 v12, v15  }
0xd0: {  	s18 =	simm.s32 $0x0;
	s20 =	simm.s32 $0xC0;
	v14 =	vshrl.u32 v9, $0x14;
	v9 =	vor.u32 v1, v3;
	v15 =	vshra.s32 v8, $0x1F  }
.LBB2_8:
0xd1: {  	v3 =	vld [tilespmem:s20+$0x30];
	s18 =	sadd.s32 $0x8, s18;
	v13 =	vor.u32 $0x80000000, v13;
	v10 =	vshrl.u32 v10, $0x14;
	v15 =	vor.u32 $0x80000000, v15;
	s19 =	simm.s32 $0x18900  }
0xd2: {  	v16 =	vld [tilespmem:s20+$0xFFFFFFE0];
	p0 =	slt.u32 s18, $0xC38;
	v7 =	vxor.u32 v7, v13;
	v10 =	vand.u32 $0xFF0, v10;
	v8 =	vxor.u32 v8, v15  }
0xd3: {  	v13 =	vshra.s32 v6, $0x1F;
	v15 =	vld [tilespmem:s20+$0x0];
	v17 =	vor.u32 v1, v10;
	v8 =	vshrl.u32 v8, $0x14  }
0xd4: {  	v10 =	vor.u32 $0x80000000, v13;
	[tilespmem:v11+s11+$0x0] =	vst.idx.add.s32.msk $0xffff, v2;
	v8 =	vand.u32 $0xFF0, v8;
	v11 =	vand.u32 $0xFF0, v14  }
0xd5: {  	v13 =	vshrl.u32 v7, $0x14;
	v14 =	vld [tilespmem:s20+$0x20];
	v18 =	vor.u32 v1, v8;
	v11 =	vor.u32 v1, v11  }
0xd6: {  	v12 =	vshrl.u32 v12, $0x14;
	v10 =	vxor.u32 v6, v10;
	v8 =	vand.u32 $0xFF0, v13;
	v7 =	vld [tilespmem:s20+$0xFFFFFFC0]  }
0xd7: {  	v19 =	vor.u32 v1, v8;
	v8 =	vand.u32 $0xFF0, v12;
	v6 =	vld [tilespmem:s20+$0xFFFFFFD0];
	v13 =	vshra.s32 v16, $0x1F  }
0xd8: {  	v10 =	vshrl.u32 v10, $0x14;
	v20 =	vor.u32 v1, v8;
	v12 =	vor.u32 $0x80000000, v13;
	[tilespmem:v9+s11+$0x0] =	vst.idx.add.s32.msk $0xffff, v2  }
0xd9: {  	v21 =	vshra.s32 v3, $0x1F;
	v8 =	vshra.s32 v15, $0x1F;
	v13 =	vand.u32 $0xFF0, v10;
	v9 =	vld [tilespmem:s20+$0xFFFFFFF0]  }
0xda: {  	v10 =	vxor.u32 v16, v12;
	v12 =	vor.u32 $0x80000000, v8;
	v16 =	vor.u32 v1, v13;
	v8 =	vld [tilespmem:s20+$0x10]  }
0xdb: {  	v12 =	vxor.u32 v15, v12;
	v15 =	vshra.s32 v14, $0x1F;
	v13 =	vshra.s32 v7, $0x1F;
	[tilespmem:v11+s11+$0x0] =	vst.idx.add.s32.msk $0xffff, v2  }
.Ltmp7:
0xdc: {  	v11 =	vshrl.u32 v12, $0x14;
	v12 =	vor.u32 $0x80000000, v15;
	v15 =	vor.u32 $0x80000000, v21;
	[tilespmem:v17+s11+$0x0] =	vst.idx.add.s32.msk $0xffff, v2;
	(pc) =	sbr.rel @p0 .LBB2_8-.Ltmp7, $4  }
0xdd: {  	v11 =	vand.u32 $0xFF0, v11;
	v12 =	vxor.u32 v14, v12;
	v3 =	vxor.u32 v3, v15;
	[tilespmem:v18+s11+$0x0] =	vst.idx.add.s32.msk $0xffff, v2  }
0xde: {  	v11 =	vor.u32 v1, v11;
	v3 =	vshrl.u32 v3, $0x14;
	v14 =	vshra.s32 v9, $0x1F;
	[tilespmem:v19+s11+$0x0] =	vst.idx.add.s32.msk $0xffff, v2  }
0xdf: {  	v3 =	vand.u32 $0xFF0, v3;
	v15 =	vor.u32 $0x80000000, v14;
	v14 =	vshrl.u32 v12, $0x14;
	[tilespmem:v16+s11+$0x0] =	vst.idx.add.s32.msk $0xffff, v2  }
0xe0: {  	s20 =	sadd.s32 $0x80, s20;
	v12 =	vxor.u32 v9, v15;
	v15 =	vshra.s32 v8, $0x1F;
	v9 =	vor.u32 v1, v3;
	[tilespmem:v20+s11+$0x0] =	vst.idx.add.s32.msk $0xffff, v2  }
0xe1: {  	v3 =	vor.u32 $0x80000000, v13;
	v10 =	vshrl.u32 v10, $0x14;
	v37 =	vor.u32 $0x80000000, v15  }
0xe2: {  	v38 =	vshra.s32 v6, $0x1F;
	v39 =	vand.u32 $0xFF0, v14;
	v40 =	vshrl.u32 v12, $0x14  }
0xe3: {  	v3 =	vxor.u32 v7, v3;
	v7 =	vand.u32 $0xFF0, v10;
	v8 =	vxor.u32 v8, v37  }
0xe4: {  	v10 =	vor.u32 $0x80000000, v38;
	v13 =	vor.u32 v1, v39;
	v7 =	vor.u32 v1, v7  }
0xe5: {  	v8 =	vshrl.u32 v8, $0x14;
	v6 =	vxor.u32 v6, v10;
	v10 =	vand.u32 $0xFF0, v40  }
0xe6: {  	v3 =	vshrl.u32 v3, $0x14;
	v8 =	vand.u32 $0xFF0, v8;
	v41 =	vor.u32 v1, v10  }
0xe7: {  	[tilespmem:v11+s11+$0x0] =	vst.idx.add.s32.msk $0xffff, v2;
	v3 =	vand.u32 $0xFF0, v3;
	v6 =	vshrl.u32 v6, $0x14;
	v8 =	vor.u32 v1, v8  }
0xe8: {  	[tilespmem:v9+s11+$0x0] =	vst.idx.add.s32.msk $0xffff, v2;
	v3 =	vor.u32 v1, v3;
	v6 =	vand.u32 $0xFF0, v6  }
0xe9: {  	v6 =	vor.u32 v1, v6;
	[tilespmem:v13+s11+$0x0] =	vst.idx.add.s32.msk $0xffff, v2  }
0xea: {  	[tilespmem:v7+s11+$0x0] =	vst.idx.add.s32.msk $0xffff, v2  }
0xeb: {  	[tilespmem:v41+s11+$0x0] =	vst.idx.add.s32.msk $0xffff, v2  }
0xec: {  	[tilespmem:v8+s11+$0x0] =	vst.idx.add.s32.msk $0xffff, v2  }
0xed: {  	[tilespmem:v3+s11+$0x0] =	vst.idx.add.s32.msk $0xffff, v2  }
0xee: {  	[tilespmem:v6+s11+$0x0] =	vst.idx.add.s32.msk $0xffff, v2  }
0xef: {  	v3 =	vld [tilespmem:s19+$0xFFFFFF80]  }
0xf0: {  	v6 =	vld [tilespmem:s19+$0xFFFFFF90]  }
0xf1: {  	v7 =	vld [tilespmem:s19+$0xFFFFFFA0]  }
0xf2: {  	v8 =	vld [tilespmem:s19+$0xFFFFFFB0]  }
0xf3: {  	v9 =	vld [tilespmem:s19+$0xFFFFFFC0]  }
0xf4: {  	v42 =	vld [tilespmem:s19+$0xFFFFFFD0];
	(xrf0) =	vadd.scan.msk.s32 $0xffff, v3  }
0xf5: {  	v3 =	vld [tilespmem:s19+$0xFFFFFFE0];
	(xrf0) =	vadd.scan.msk.s32 $0xffff, v6  }
0xf6: {  	v6 =	vld [tilespmem:s19+$0xFFFFFFF0];
	(xrf0) =	vadd.scan.msk.s32 $0xffff, v7  }
0xf7: {  	v7 =	vld [tilespmem:s19+$0x0];
	(xrf0) =	vadd.scan.msk.s32 $0xffff, v8  }
0xf8: {  	v8 =	vld [tilespmem:s19+$0x10];
	(xrf0) =	vadd.scan.msk.s32 $0xffff, v9  }
0xf9: {  	v43 =	vld [tilespmem:s19+$0x20];
	(xrf0) =	vadd.scan.msk.s32 $0xffff, v42  }
0xfa: {  	vm0 =	vmmov $0x1;
	vm3 =	vcmask $0xF0C;
	[tilespmem:s19+$0xFFFFFFF0] =	vst v0;
	v44 =	vld [tilespmem:s19+$0x30];
	v45, _, _ =	vpop (xrf0);
	(xrf0) =	vadd.scan.msk.s32 $0xffff, v3  }
0xfb: {  	vm4 =	vcmask $0x1310;
	vm5 =	vcmask $0x1714;
	[tilespmem:s19+$0xFFFFFF80] =	vst v0;
	v46 =	vld [tilespmem:s19+$0x40];
	v47, _, _ =	vpop (xrf0);
	(xrf0) =	vadd.scan.msk.s32 $0xffff, v6  }
0xfc: {  	[tilespmem:s19+$0xFFFFFF90] =	vst v0;
	v48 =	vld [tilespmem:s19+$0x50];
	v3 =	vbroadcast v45, $0xF;
	v6 =	vbroadcast v47, $0xF;
	v49, _, _ =	vpop (xrf0);
	(xrf0) =	vadd.scan.msk.s32 $0xffff, v7  }
0xfd: {  	vm6 =	vcmask $0x1B18;
	[tilespmem:s19+$0xFFFFFFA0] =	vst v0;
	v50 =	vld [tilespmem:s19+$0x60];
	v7 =	vbroadcast v49, $0xF;
	v51, _, _ =	vpop (xrf0);
	(xrf0) =	vadd.scan.msk.s32 $0xffff, v8  }
0xfe: {  	v3 =	vnsel vm0, $0x0, v3;
	v6 =	vnsel vm13, $0x0, v6;
	v8 =	vbroadcast v51, $0xF;
	v52, _, _ =	vpop (xrf0);
	(xrf0) =	vadd.scan.msk.s32 $0xffff, v43  }
0xff: {  	v3 =	vadd.s32 v3, v6;
	v6 =	vnsel vm2, $0x0, v7;
	v7 =	vbroadcast v52, $0xF;
	v53, _, _ =	vpop (xrf0);
	(xrf0) =	vadd.scan.msk.s32 $0xffff, v44  }
0x100: {  	v3 =	vadd.s32 v6, v3;
	v6 =	vnsel vm3, $0x0, v8;
	v8 =	vbroadcast v53, $0xF;
	v55, _, _ =	vpop (xrf0);
	(xrf0) =	vadd.scan.msk.s32 $0xffff, v46  }
0x101: {  	v3 =	vadd.s32 v6, v3;
	v6 =	vnsel vm4, $0x0, v7;
	v7 =	vbroadcast v55, $0xF;
	v56, _, _ =	vpop (xrf0);
	(xrf0) =	vadd.scan.msk.s32 $0xffff, v48  }
0x102: {  	v54 =	vld [tilespmem:s19+$0x70];
	v3 =	vadd.s32 v6, v3;
	v6 =	vnsel vm5, $0x0, v8;
	v8 =	vbroadcast v56, $0xF;
	v57, _, _ =	vpop (xrf0);
	(xrf0) =	vadd.scan.msk.s32 $0xffff, v50  }
0x103: {  	[tilespmem:s19+$0xFFFFFFB0] =	vst v0;
	v3 =	vadd.s32 v6, v3;
	v6 =	vnsel vm6, $0x0, v7;
	v7 =	vbroadcast v57, $0xF;
	v58, _, _ =	vpop (xrf0)  }
0x104: {  	[tilespmem:s19+$0xFFFFFFC0] =	vst v0;
	v3 =	vadd.s32 v6, v3;
	v6 =	vnsel vm7, $0x0, v8;
	v8 =	vbroadcast v58, $0xF;
	v59, _, _ =	vpop (xrf0)  }
0x105: {  	[tilespmem:s19+$0xFFFFFFD0] =	vst v0;
	v3 =	vadd.s32 v6, v3;
	v6 =	vnsel vm8, $0x0, v7;
	v7 =	vbroadcast v59, $0xF;
	v60, _, _ =	vpop (xrf0)  }
0x106: {  	[tilespmem:s19+$0x20] =	vst v0;
	v3 =	vadd.s32 v6, v3;
	v6 =	vnsel vm9, $0x0, v8;
	v8 =	vbroadcast v60, $0xF;
	v61, _, _ =	vpop (xrf0)  }
0x107: {  	(xrf0) =	vadd.scan.msk.s32 $0xffff, v54;
	v3 =	vadd.s32 v6, v3;
	v6 =	vnsel vm10, $0x0, v7;
	v7 =	vbroadcast v61, $0xF;
	v62, _, _ =	vpop (xrf0)  }
0x108: {  	[tilespmem:s19+$0x70] =	vst v0;
	v3 =	vadd.s32 v6, v3;
	v6 =	vnsel vm11, $0x0, v8;
	v63, _, _ =	vpop (xrf0)  }
0x109: {  	[tilespmem:s19+$0x30] =	vst v0;
	v3 =	vadd.s32 v6, v3;
	v6 =	vnsel vm12, $0x0, v7;
	v7 =	vbroadcast v63, $0xF  }
0x10a: {  	[tilespmem:s19+$0x40] =	vst v0;
	v8 =	vbroadcast v62, $0xF  }
0x10b: {  	[tilespmem:s19+$0x60] =	vst v0  }
0x10c: {  	[tilespmem:s19+$0x50] =	vst v0;
	v3 =	vadd.s32 v6, v3;
	v6 =	vnsel vm14, $0x0, v8  }
0x10d: {  	vm1 =	vmmov $0x7fff;
	[tilespmem:s19+$0xFFFFFFE0] =	vst v0;
	v3 =	vadd.s32 v6, v3;
	v6 =	vnsel vm15, $0x0, v7;
	v7, _, _ =	vpop (xrf0)  }
0x10e: {  	[tilespmem:s19+$0x0] =	vst v0;
	v3 =	vadd.s32 v6, v3;
	v6 =	vsel vm1, $0x0, v7  }
0x10f: {  	s18 =	simm.s32 $0x0;
	s20 =	simm.s32 $0x40;
	s21 =	simm.s32 $0x0;
	[tilespmem:s19+$0x10] =	vst v0;
	v6 =	vadd.s32 v6, v3  }
.LBB2_10:
0x110: {  	p0 =	sne.s32 s20, $0x3C0  }
0x111: {  	[tilespmem:s21+$0x19880] =	vst v6;
	s19 =	sadd.s32 $0x100, s19;
	s21 =	smov.u32 s20;
	s20 =	sadd.s32 $0x40, s20  }
0x112: {  	v3 =	vld [tilespmem:s19+$0xFFFFFF80]  }
0x113: {  	v6 =	vld [tilespmem:s19+$0xFFFFFF90]  }
0x114: {  	v7 =	vld [tilespmem:s19+$0xFFFFFFA0]  }
0x115: {  	v8 =	vld [tilespmem:s19+$0xFFFFFFB0]  }
0x116: {  	v9 =	vld [tilespmem:s19+$0xFFFFFFC0]  }
0x117: {  	v10 =	vld [tilespmem:s19+$0xFFFFFFD0];
	(xrf0) =	vadd.scan.msk.s32 $0xffff, v3  }
0x118: {  	v3 =	vld [tilespmem:s19+$0xFFFFFFE0];
	(xrf0) =	vadd.scan.msk.s32 $0xffff, v6  }
0x119: {  	v6 =	vld [tilespmem:s19+$0xFFFFFFF0];
	(xrf0) =	vadd.scan.msk.s32 $0xffff, v7  }
0x11a: {  	v7 =	vld [tilespmem:s19+$0x0];
	(xrf0) =	vadd.scan.msk.s32 $0xffff, v8  }
0x11b: {  	v8 =	vld [tilespmem:s19+$0x10];
	(xrf0) =	vadd.scan.msk.s32 $0xffff, v9  }
0x11c: {  	[tilespmem:s19+$0xFFFFFFF0] =	vst v0;
	v9 =	vld [tilespmem:s19+$0x20];
	(xrf0) =	vadd.scan.msk.s32 $0xffff, v10  }
0x11d: {  	[tilespmem:s19+$0xFFFFFF80] =	vst v0;
	v10 =	vld [tilespmem:s19+$0x30];
	v11, _, _ =	vpop (xrf0);
	(xrf0) =	vadd.scan.msk.s32 $0xffff, v3  }
0x11e: {  	v3 =	vbroadcast v11, $0xF;
	[tilespmem:s19+$0xFFFFFF90] =	vst v0;
	v11 =	vld [tilespmem:s19+$0x40];
	v12, _, _ =	vpop (xrf0);
	(xrf0) =	vadd.scan.msk.s32 $0xffff, v6  }
0x11f: {  	v6 =	vbroadcast v12, $0xF;
	[tilespmem:s19+$0xFFFFFFA0] =	vst v0;
	v12 =	vld [tilespmem:s19+$0x50];
	v13, _, _ =	vpop (xrf0);
	(xrf0) =	vadd.scan.msk.s32 $0xffff, v7  }
0x120: {  	v3 =	vnsel vm0, $0x0, v3;
	v7 =	vbroadcast v13, $0xF;
	[tilespmem:s19+$0xFFFFFFB0] =	vst v0;
	v13 =	vld [tilespmem:s19+$0x60];
	v14, _, _ =	vpop (xrf0);
	(xrf0) =	vadd.scan.msk.s32 $0xffff, v8  }
0x121: {  	v6 =	vnsel vm13, $0x0, v6;
	v8 =	vbroadcast v14, $0xF;
	[tilespmem:s19+$0xFFFFFFC0] =	vst v0;
	v14, _, _ =	vpop (xrf0);
	(xrf0) =	vadd.scan.msk.s32 $0xffff, v9  }
0x122: {  	v3 =	vadd.s32 v3, v6;
	v6 =	vnsel vm2, $0x0, v7;
	v7 =	vbroadcast v14, $0xF;
	v9, _, _ =	vpop (xrf0);
	(xrf0) =	vadd.scan.msk.s32 $0xffff, v10  }
0x123: {  	v3 =	vadd.s32 v6, v3;
	v6 =	vnsel vm3, $0x0, v8;
	v8 =	vbroadcast v9, $0xF;
	v9 =	vld [tilespmem:s19+$0x70];
	v10, _, _ =	vpop (xrf0);
	(xrf0) =	vadd.scan.msk.s32 $0xffff, v11  }
0x124: {  	v3 =	vadd.s32 v6, v3;
	v6 =	vnsel vm4, $0x0, v7;
	v7 =	vbroadcast v10, $0xF;
	v10, _, _ =	vpop (xrf0);
	(xrf0) =	vadd.scan.msk.s32 $0xffff, v12  }
0x125: {  	v3 =	vadd.s32 v6, v3;
	v6 =	vnsel vm5, $0x0, v8;
	v8 =	vbroadcast v10, $0xF;
	v10, _, _ =	vpop (xrf0);
	(xrf0) =	vadd.scan.msk.s32 $0xffff, v13  }
0x126: {  	[tilespmem:s19+$0xFFFFFFD0] =	vst v0;
	v3 =	vadd.s32 v6, v3;
	v6 =	vnsel vm6, $0x0, v7;
	v7 =	vbroadcast v10, $0xF;
	v10, _, _ =	vpop (xrf0)  }
0x127: {  	[tilespmem:s19+$0xFFFFFFE0] =	vst v0;
	v3 =	vadd.s32 v6, v3;
	v6 =	vnsel vm7, $0x0, v8;
	v8 =	vbroadcast v10, $0xF;
	v10, _, _ =	vpop (xrf0)  }
0x128: {  	v3 =	vadd.s32 v6, v3;
	v6 =	vnsel vm8, $0x0, v7;
	v7 =	vbroadcast v10, $0xF;
	v10, _, _ =	vpop (xrf0);
	(xrf0) =	vadd.scan.msk.s32 $0xffff, v9  }
0x129: {  	[tilespmem:s19+$0x0] =	vst v0;
	v3 =	vadd.s32 v6, v3;
	v6 =	vnsel vm9, $0x0, v8;
	v8 =	vbroadcast v10, $0xF;
	v9, _, _ =	vpop (xrf0)  }
0x12a: {  	[tilespmem:s19+$0x10] =	vst v0;
	v3 =	vadd.s32 v6, v3;
	v6 =	vnsel vm10, $0x0, v7;
	v7 =	vbroadcast v9, $0xF;
	v9, _, _ =	vpop (xrf0)  }
0x12b: {  	[tilespmem:s19+$0x20] =	vst v0;
	v3 =	vadd.s32 v6, v3;
	v6 =	vnsel vm11, $0x0, v8;
	v8 =	vbroadcast v9, $0xF;
	v9, _, _ =	vpop (xrf0)  }
.Ltmp8:
0x12c: {  	v3 =	vadd.s32 v6, v3;
	v6 =	vnsel vm12, $0x0, v7;
	v9 =	vbroadcast v9, $0xF;
	[tilespmem:s19+$0x70] =	vst v0;
	(pc) =	sbr.rel @p0 .LBB2_10-.Ltmp8, $4  }
0x12d: {  	[tilespmem:s19+$0x30] =	vst v0;
	v3 =	vadd.s32 v6, v3;
	v6 =	vnsel vm14, $0x0, v8  }
0x12e: {  	[tilespmem:s19+$0x40] =	vst v0;
	v3 =	vadd.s32 v6, v3;
	v6 =	vnsel vm15, $0x0, v9;
	v7, _, _ =	vpop (xrf0)  }
0x12f: {  	[tilespmem:s19+$0x60] =	vst v0;
	v3 =	vadd.s32 v6, v3;
	v6 =	vsel vm1, $0x0, v7  }
0x130: {  	s21 =	sshra.s32 s21, $0x2;
	[tilespmem:s19+$0x50] =	vst v0;
	v6 =	vadd.s32 v6, v3  }
0x131: {  	[tilespmem:s21+$0x19880] =	vst v6;
	s19 =	simm.s32 $0x19970  }
0x132: {  	v3 =	vld [tilespmem:s19+$0x0]  }
0x133: {  	s29 =	simm.s32 $0x19960  }
0x134: {  	v8 =	vld [tilespmem:s29+$0x0];
	_ =	sdelay $0x1  }
0x135: {  	s30 =	simm.s32 $0x19950  }
0x136: {  	v10 =	vld [tilespmem:s30+$0x0];
	(xrf0) =	vadd.scan.msk.s32 $0xffff, v3;
	_ =	sdelay $0x1  }
0x137: {  	(xrf0) =	vadd.scan.msk.s32 $0xffff, v8;
	_ =	sdelay $0x1  }
0x138: {  	s31 =	simm.s32 $0x19940  }
0x139: {  	v11 =	vld [tilespmem:s31+$0x0];
	(xrf0) =	vadd.scan.msk.s32 $0xffff, v10  }
0x13a: {  	v7, _, _ =	vpop (xrf0)  }
0x13b: {  	(v2sf) =	vpush v7, $0xF  }
0x13c: {  	v9, _, _ =	vpop (xrf0)  }
0x13d: {  	(v2sf) =	vpush v9, $0xF  }
0x13e: {  	(xrf0) =	vadd.scan.msk.s32 $0xffff, v11  }
0x13f: {  	v12, _, _ =	vpop (xrf0)  }
0x140: {  	(v2sf) =	vpush v12, $0xF  }
0x141: {  	s20 =	simm.s32 $0x19930  }
0x142: {  	v6 =	vld [tilespmem:s20+$0x0];
	_ =	sdelay $0x1  }
0x143: {  	v13, _, _ =	vpop (xrf0)  }
0x144: {  	(v2sf) =	vpush v13, $0xF;
	_ =	sdelay $0x1  }
0x145: {  	(xrf0) =	vadd.scan.msk.s32 $0xffff, v6;
	_ =	sdelay $0x2  }
0x146: {  	s21 =	spop (v2sf)  }
0x147: {  	s19 =	sadd.s32 $0x0, s21  }
0x148: {  	s20 =	simm.s32 $0x19920;
	s22 =	spop (v2sf);
	v7 =	vsub.s32 s19, v7  }
0x149: {  	v14, _, _ =	vpop (xrf0);
	s19 =	sadd.s32 s19, s22;
	v3 =	vadd.s32 v3, v7;
	vm0 =	vlt.s32 v7, $0x2F0;
	v7 =	vld [tilespmem:s20+$0x0]  }
0x14a: {  	s23 =	simm.s32 $0xF0;
	(v2sf) =	vpush v14, $0xF;
	vm1 =	vgt.s32 v3, $0x2EF;
	v3 =	vsub.s32 s19, v9  }
0x14b: {  	s24 =	simm.s32 $0x19910;
	s22 =	spop (v2sf);
	v9 =	vor.u32 s23, v1;
	vm0 =	vmand vm0, vm1;
	v15 =	vadd.s32 v8, v3  }
0x14c: {  	s25 =	simm.s32 $0xE0;
	s19 =	sadd.s32 s19, s22;
	vm10 =	vlt.s32 v3, $0x2F0;
	v8 =	vld [tilespmem:s24+$0x0];
	v3 =	vnsel vm0, $0x0, v9;
	vm11 =	vgt.s32 v15, $0x2EF  }
0x14d: {  	v12 =	vsub.s32 s19, v12;
	(xrf0) =	vadd.scan.msk.s32 $0xffff, v3;
	vm0 =	vmand vm10, vm11;
	v3 =	vor.u32 s25, v1  }
0x14e: {  	v10 =	vadd.s32 v10, v12;
	v3 =	vnsel vm0, $0x0, v3;
	(xrf0) =	vadd.scan.msk.s32 $0xffff, v7  }
0x14f: {  	s28 =	simm.s32 $0xD0;
	vm12 =	vlt.s32 v12, $0x2F0;
	vm13 =	vgt.s32 v10, $0x2EF;
	(xrf0) =	vadd.scan.msk.s32 $0xffff, v3  }
0x150: {  	s29 =	spop (v2sf);
	vm0 =	vmand vm12, vm13;
	v3 =	vor.u32 s28, v1  }
0x151: {  	s19 =	sadd.s32 s19, s29;
	(xrf0) =	vadd.scan.msk.s32 $0xffff, v8;
	v3 =	vnsel vm0, $0x0, v3  }
0x152: {  	s26 =	simm.s32 $0x19900;
	(xrf0) =	vadd.scan.msk.s32 $0xffff, v3;
	v3 =	vsub.s32 s19, v13  }
0x153: {  	v9 =	vld [tilespmem:s26+$0x0];
	v13 =	vadd.s32 v11, v3;
	v12, _, _ =	vpop (xrf0)  }
0x154: {  	s31 =	simm.s32 $0xC0;
	vm14 =	vlt.s32 v3, $0x2F0;
	vm15 =	vgt.s32 v13, $0x2EF;
	v11, _, _ =	vpop (xrf0);
	(v2sf) =	vpush v12, $0xF  }
0x155: {  	v13 =	vor.u32 s31, v1;
	vm0 =	vmand vm14, vm15;
	v3, _, _ =	vpop (xrf0);
	(v2sf) =	vpush v11, $0xF  }
0x156: {  	(v2sf) =	vpush v3, $0xF;
	v3 =	vnsel vm0, $0x0, v13;
	_ =	sdelay $0x1  }
0x157: {  	(xrf0) =	vadd.scan.msk.s32 $0xffff, v9;
	v12, _, _ =	vpop (xrf0)  }
0x158: {  	(v2sf) =	vpush v12, $0xF;
	(xrf0) =	vadd.scan.msk.s32 $0xffff, v3;
	v3, _, _ =	vpop (xrf0)  }
0x159: {  	s24 =	spop (v2sf);
	(v2sf) =	vpush v3, $0xF;
	_ =	sdelay $0x2  }
0x15a: {  	s30 =	simm.s32 $0x198F0  }
0x15b: {  	v10 =	vld [tilespmem:s30+$0x0];
	_ =	sdelay $0x2  }
0x15c: {  	s21 =	simm.s32 $0xA0;
	s20 =	simm.s32 $0x80  }
0x15d: {  	s23 =	simm.s32 $0xB0;
	s22 =	simm.s32 $0x90;
	s24 =	sadd.s32 s19, s24  }
0x15e: {  	s26 =	simm.s32 $0x198E0;
	s25 =	simm.s32 $0x60;
	v14 =	vsub.s32 s24, v14;
	s19 =	simm.s32 $0x70;
	(xrf0) =	vadd.scan.msk.s32 $0xffff, v10;
	v13, _, _ =	vpop (xrf0)  }
.LBB2_12:
0x15f: {  	v3 =	vld [tilespmem:s26+$0x0];
	p0 =	sne.s32 s25, $0x0;
	(v2sf) =	vpush v13, $0xF;
	v15 =	vadd.s32 v6, v14;
	v6 =	vmovc v7;
	v7 =	vmovc v8;
	v8 =	vmov v9;
	s28 =	smov.u32 s25;
	s25 =	sadd.s32 $0xFFFFFFF0, s25  }
.Ltmp9:
0x160: {  	vm0 =	vlt.s32 v14, $0x2F0;
	v9 =	vmovc v10;
	v10 =	vmovc v11;
	v11 =	vmov v12;
	vm1 =	vgt.s32 v15, $0x2EF;
	(pc) =	sbr.rel @p0 .LBB2_12-.Ltmp9, $4  }
0x161: {  	v14 =	vor.u32 s23, v1;
	v12 =	vmov v13;
	s23 =	smov.u32 s21;
	s21 =	smov.u32 s22;
	vm0 =	vmand vm0, vm1;
	s29 =	spop (v2sf)  }
0x162: {  	s22 =	smov.u32 s20;
	s30 =	spop (v2sf);
	v14 =	vnsel vm0, $0x0, v14;
	s18 =	sadd.s32 s18, s29  }
0x163: {  	s20 =	smov.u32 s19;
	s19 =	smov.u32 s28;
	s24 =	sadd.s32 s24, s30;
	(xrf0) =	vadd.scan.msk.s32 $0xffff, v14;
	v15, _, _ =	vpop (xrf0)  }
0x164: {  	s26 =	sadd.s32 $0xFFFFFFF0, s26;
	(xrf0) =	vadd.scan.msk.s32 $0xffff, v3;
	v13, _, _ =	vpop (xrf0);
	v14 =	vsub.s32 s24, v10;
	(v2sf) =	vpush v15, $0xF;
	v10 =	vmov v3  }
0x165: {  	_ =	sdelay $0x3  }
0x166: {  	(v2sf) =	vpush v13, $0xF;
	v3, _, _ =	vpop (xrf0)  }
0x167: {  	v15, _, _ =	vpop (xrf0);
	(v2sf) =	vpush v3, $0xF  }
0x168: {  	(v2sf) =	vpush v15, $0xF;
	_ =	sdelay $0x6  }
0x169: {  	s25 =	spop (v2sf)  }
0x16a: {  	s26 =	spop (v2sf)  }
0x16b: {  	s26 =	sadd.s32 s24, s26;
	v3 =	vadd.s32 v6, v14  }
0x16c: {  	vm0 =	vlt.s32 v14, $0x2F0;
	s24 =	spop (v2sf);
	v6 =	vsub.s32 s26, v11;
	vm1 =	vgt.s32 v3, $0x2EF  }
0x16d: {  	v3 =	vor.u32 s23, v1;
	v7 =	vadd.s32 v7, v6;
	vm0 =	vmand vm0, vm1;
	s31 =	spop (v2sf)  }
0x16e: {  	vm1 =	vgt.s32 v7, $0x2EF;
	v3 =	vnsel vm0, $0x0, v3;
	vm0 =	vlt.s32 v6, $0x2F0;
	s23 =	sadd.s32 s26, s31;
	s28 =	spop (v2sf)  }
0x16f: {  	v6 =	vor.u32 s21, v1;
	vm0 =	vmand vm0, vm1;
	v7 =	vsub.s32 s23, v12;
	s29 =	spop (v2sf)  }
0x170: {  	(xrf0) =	vadd.scan.msk.s32 $0xffff, v3;
	v6 =	vnsel vm0, $0x0, v6;
	v8 =	vadd.s32 v8, v7;
	s30 =	spop (v2sf)  }
0x171: {  	(xrf0) =	vadd.scan.msk.s32 $0xffff, v6;
	v6 =	vor.u32 s20, v1;
	vm1 =	vlt.s32 v7, $0x2F0;
	vm2 =	vgt.s32 v8, $0x2EF;
	s21 =	sadd.s32 s23, s29;
	s31 =	spop (v2sf)  }
0x172: {  	v7 =	vor.u32 s22, v1;
	vm0 =	vmand vm1, vm2;
	v8 =	vsub.s32 s21, v13;
	s21 =	sadd.s32 s21, s31  }
0x173: {  	v9 =	vadd.s32 v9, v8;
	vm1 =	vlt.s32 v8, $0x2F0;
	v8 =	vsub.s32 s21, v15  }
0x174: {  	v3 =	vnsel vm0, $0x0, v7;
	vm2 =	vgt.s32 v9, $0x2EF;
	v7 =	vadd.s32 v10, v8  }
0x175: {  	vm0 =	vmand vm1, vm2;
	vm1 =	vlt.s32 v8, $0x2F0;
	vm2 =	vgt.s32 v7, $0x2EF  }
0x176: {  	(xrf0) =	vadd.scan.msk.s32 $0xffff, v3;
	v3 =	vnsel vm0, $0x0, v6;
	v6 =	vor.u32 s19, v1;
	vm0 =	vmand vm1, vm2  }
0x177: {  	(xrf0) =	vadd.scan.msk.s32 $0xffff, v3;
	v3 =	vnsel vm0, $0x0, v6  }
0x178: {  	s22 =	simm.s32 $0x80;
	(xrf0) =	vadd.scan.msk.s32 $0xffff, v3  }
0x179: {  	v11 =	vld [tilespmem:s22+$0x40]  }
0x17a: {  	v12 =	vld [tilespmem:s22+$0x30];
	v3, _, _ =	vpop (xrf0)  }
0x17b: {  	v14 =	vld [tilespmem:s22+$0x10];
	(v2sf) =	vpush v3, $0xF;
	v3, _, _ =	vpop (xrf0)  }
0x17c: {  	v16 =	vld [tilespmem:s22+$0x0];
	(v2sf) =	vpush v3, $0xF;
	v3, _, _ =	vpop (xrf0)  }
0x17d: {  	v17 =	vld [tilespmem:s22+$0xFFFFFFE0];
	(v2sf) =	vpush v3, $0xF;
	v3, _, _ =	vpop (xrf0)  }
0x17e: {  	v18 =	vld [tilespmem:s22+$0xFFFFFFD0];
	(v2sf) =	vpush v3, $0xF;
	v3, _, _ =	vpop (xrf0)  }
0x17f: {  	v19 =	vld [tilespmem:s22+$0xFFFFFFC0];
	(v2sf) =	vpush v3, $0xF  }
0x180: {  	v22 =	vld [tilespmem:s22+$0xFFFFFFB0]  }
0x181: {  	v23 =	vld [tilespmem:s22+$0xFFFFFFA0]  }
0x182: {  	v20 =	vld [tilespmem:s22+$0xFFFFFF90]  }
0x183: {  	v21 =	vld [tilespmem:s22+$0xFFFFFF80]  }
0x184: {  	v60 =	vimm.s32 $0x0;
	v62 =	vimm.s32 $0x0  }
0x185: {  	v24 =	vshra.s32 v11, $0x1F;
	v27 =	vshra.s32 v12, $0x1F;
	v28 =	vshra.s32 v16, $0x1F  }
0x186: {  	v13 =	vld [tilespmem:s22+$0x20];
	v29 =	vshra.s32 v14, $0x1F;
	v30 =	vshra.s32 v18, $0x1F;
	v31 =	vshra.s32 v17, $0x1F  }
0x187: {  	s18 =	sadd.s32 s18, s25;
	v33 =	vshra.s32 v23, $0x1F;
	v34 =	vshra.s32 v22, $0x1F;
	v35 =	vshra.s32 v19, $0x1F;
	v15 =	vld [tilespmem:s22+$0xFFFFFFF0]  }
0x188: {  	s18 =	sadd.s32 s18, s24;
	v36 =	vshra.s32 v21, $0x1F;
	v37 =	vshra.s32 v20, $0x1F;
	v24 =	vor.u32 $0x80000000, v24;
	v8 =	vld [tilespmem:s22+$0x60]  }
0x189: {  	s18 =	sadd.s32 s18, s28;
	v29 =	vor.u32 $0x80000000, v29;
	v27 =	vor.u32 $0x80000000, v27;
	v31 =	vor.u32 $0x80000000, v31;
	v3 =	vld [tilespmem:s22+$0x70]  }
0x18a: {  	v28 =	vor.u32 $0x80000000, v28;
	v34 =	vor.u32 $0x80000000, v34;
	v35 =	vor.u32 $0x80000000, v35;
	s18 =	sadd.s32 s18, s30;
	s28 =	spop (v2sf)  }
0x18b: {  	v30 =	vor.u32 $0x80000000, v30;
	v36 =	vor.u32 $0x80000000, v36;
	v37 =	vor.u32 $0x80000000, v37;
	s18 =	sadd.s32 s18, s28;
	s29 =	spop (v2sf)  }
0x18c: {  	v33 =	vor.u32 $0x80000000, v33;
	v18 =	vxor.u32 v18, v30;
	v26 =	vshra.s32 v13, $0x1F;
	s18 =	sadd.s32 s18, s29;
	s30 =	spop (v2sf)  }
0x18d: {  	v17 =	vxor.u32 v17, v31;
	v16 =	vxor.u32 v16, v28;
	v26 =	vor.u32 $0x80000000, v26;
	s18 =	sadd.s32 s18, s30;
	s31 =	spop (v2sf)  }
0x18e: {  	v32 =	vshra.s32 v15, $0x1F;
	v9 =	vshra.s32 v8, $0x1F;
	v10 =	vshra.s32 v3, $0x1F;
	s18 =	sadd.s32 s18, s31;
	s21 =	spop (v2sf)  }
0x18f: {  	v32 =	vor.u32 $0x80000000, v32;
	v9 =	vor.u32 $0x80000000, v9;
	v10 =	vor.u32 $0x80000000, v10;
	s18 =	sadd.s32 s18, s21  }
0x190: {  	v9 =	vxor.u32 v8, v9;
	v8 =	vxor.u32 v11, v24;
	v10 =	vxor.u32 v3, v10;
	s18 =	sshll.u32 s18, $0x18  }
0x191: {  	v7 =	vld [tilespmem:s22+$0x50];
	v3 =	vxor.u32 v21, v36;
	v21 =	vxor.u32 v12, v27;
	v6 =	vmov s18  }
0x192: {  	v27 =	vxor.u32 v20, v37;
	v20 =	vxor.u32 v13, v26;
	vm13 =	vge.u32 v3, v6  }
0x193: {  	v26 =	vxor.u32 v23, v33;
	vm12 =	vge.u32 v27, v6;
	v11 =	vsel vm13, $0x1, v0  }
0x194: {  	v23 =	vxor.u32 v22, v34;
	vm11 =	vge.u32 v26, v6;
	v12 =	vsel vm12, $0x1, v0;
	(xrf0) =	vadd.scan.msk.s32 $0xffff, v11  }
0x195: {  	v22 =	vxor.u32 v19, v35;
	vm10 =	vge.u32 v23, v6;
	v11 =	vsel vm11, $0x1, v0;
	(xrf0) =	vadd.scan.msk.s32 $0xffff, v12  }
0x196: {  	v25 =	vshra.s32 v7, $0x1F;
	vm9 =	vge.u32 v22, v6;
	v12 =	vsel vm10, $0x1, v0;
	(xrf0) =	vadd.scan.msk.s32 $0xffff, v11  }
0x197: {  	v15 =	vxor.u32 v15, v32;
	vm8 =	vge.u32 v18, v6;
	v11 =	vsel vm9, $0x1, v0;
	(xrf0) =	vadd.scan.msk.s32 $0xffff, v12  }
0x198: {  	v25 =	vor.u32 $0x80000000, v25;
	vm6 =	vge.u32 v17, v6;
	v12 =	vsel vm8, $0x1, v0;
	(xrf0) =	vadd.scan.msk.s32 $0xffff, v11  }
0x199: {  	v7 =	vxor.u32 v7, v25;
	vm7 =	vge.u32 v15, v6;
	v13 =	vsel vm6, $0x1, v0;
	(xrf0) =	vadd.scan.msk.s32 $0xffff, v12  }
0x19a: {  	s22 =	simm.s32 $0x180;
	vm1 =	vge.u32 v16, v6;
	v24 =	vsel vm7, $0x1, v0;
	v12 =	vxor.u32 v14, v29;
	v14, _, _ =	vpop (xrf0);
	(xrf0) =	vadd.scan.msk.s32 $0xffff, v13  }
0x19b: {  	v30 =	vld [tilespmem:s22+$0x30];
	v13 =	vsel vm1, $0x1, v0;
	vm3 =	vge.u32 v12, v6;
	(v2sf) =	vpush v14, $0xF;
	v14, _, _ =	vpop (xrf0);
	(xrf0) =	vadd.scan.msk.s32 $0xffff, v24  }
0x19c: {  	v31 =	vld [tilespmem:s22+$0x20];
	vm4 =	vge.u32 v20, v6;
	v25 =	vsel vm3, $0x1, v0;
	(v2sf) =	vpush v14, $0xF;
	v14, _, _ =	vpop (xrf0);
	(xrf0) =	vadd.scan.msk.s32 $0xffff, v13  }
0x19d: {  	v19 =	vld [tilespmem:s22+$0x60];
	vm5 =	vge.u32 v21, v6;
	v13 =	vsel vm4, $0x1, v0;
	(v2sf) =	vpush v14, $0xF;
	v14, _, _ =	vpop (xrf0);
	(xrf0) =	vadd.scan.msk.s32 $0xffff, v25  }
0x19e: {  	v34 =	vld [tilespmem:s22+$0xFFFFFFD0];
	vm0 =	vge.u32 v8, v6;
	v25 =	vsel vm5, $0x1, v0;
	(v2sf) =	vpush v14, $0xF;
	v14, _, _ =	vpop (xrf0);
	(xrf0) =	vadd.scan.msk.s32 $0xffff, v13  }
0x19f: {  	v35 =	vld [tilespmem:s22+$0xFFFFFFB0];
	vm2 =	vge.u32 v7, v6;
	v28 =	vsel vm0, $0x1, v0;
	(v2sf) =	vpush v14, $0xF;
	v50, _, _ =	vpop (xrf0);
	(xrf0) =	vadd.scan.msk.s32 $0xffff, v25  }
0x1a0: {  	v33 =	vld [tilespmem:s22+$0xFFFFFFC0];
	vm14 =	vge.u32 v9, v6;
	v51 =	vsel vm2, $0x1, v0;
	(v2sf) =	vpush v50, $0xF;
	v52, _, _ =	vpop (xrf0);
	(xrf0) =	vadd.scan.msk.s32 $0xffff, v28  }
0x1a1: {  	vm15 =	vge.u32 v10, v6;
	v53 =	vsel vm14, $0x1, v0;
	v11 =	vld [tilespmem:s22+$0x70];
	(v2sf) =	vpush v52, $0xF;
	v54, _, _ =	vpop (xrf0);
	(xrf0) =	vadd.scan.msk.s32 $0xffff, v51  }
0x1a2: {  	v43 =	vshra.s32 v31, $0x1F;
	v55 =	vsel vm15, $0x1, v0;
	v29 =	vld [tilespmem:s22+$0x50];
	(v2sf) =	vpush v54, $0xF;
	v56, _, _ =	vpop (xrf0);
	(xrf0) =	vadd.scan.msk.s32 $0xffff, v53  }
0x1a3: {  	v44 =	vshra.s32 v30, $0x1F;
	v63 =	vshra.s32 v19, $0x1F;
	v24 =	vld [tilespmem:s22+$0x40];
	(v2sf) =	vpush v56, $0xF;
	v57, _, _ =	vpop (xrf0);
	(xrf0) =	vadd.scan.msk.s32 $0xffff, v55  }
0x1a4: {  	v49 =	vshra.s32 v35, $0x1F;
	vm0 =	vmmov vm0;
	v13 =	vld [tilespmem:s22+$0x10];
	(v2sf) =	vpush v57, $0xF;
	v58, _, _ =	vpop (xrf0)  }
0x1a5: {  	v36 =	vsel vm0, $0xFFFFFFFF, v60;
	vm0 =	vmmov vm2;
	v14 =	vld [tilespmem:s22+$0x0];
	(v2sf) =	vpush v58, $0xF;
	v59, _, _ =	vpop (xrf0)  }
0x1a6: {  	vm14 =	vmmov vm14;
	v37 =	vsel vm0, $0xFFFFFFFF, v62;
	v25 =	vld [tilespmem:s22+$0xFFFFFFF0];
	(v2sf) =	vpush v59, $0xF;
	v61, _, _ =	vpop (xrf0)  }
0x1a7: {  	v39 =	vshra.s32 v11, $0x1F;
	v42 =	vshra.s32 v29, $0x1F;
	v28 =	vld [tilespmem:s22+$0xFFFFFFE0];
	[tilespmem:$0x1FFE0] =	vst v36;
	(v2sf) =	vpush v61, $0xF;
	v54, _, _ =	vpop (xrf0)  }
0x1a8: {  	v39 =	vor.u32 $0x80000000, v39;
	v41 =	vshra.s32 v24, $0x1F;
	v36 =	vld [tilespmem:s22+$0xFFFFFFA0];
	[tilespmem:$0x1FFF0] =	vst v37;
	(v2sf) =	vpush v54, $0xF;
	v55, _, _ =	vpop (xrf0)  }
0x1a9: {  	s23 =	simm.s32 $0x0;
	v50 =	vshra.s32 v33, $0x1F;
	v41 =	vor.u32 $0x80000000, v41;
	v40 =	vld [tilespmem:s22+$0xFFFFFF80];
	(v2sf) =	vpush v55, $0xF;
	v56, _, _ =	vpop (xrf0)  }
0x1aa: {  	v38 =	vld [tilespmem:s22+$0xFFFFFF90];
	[tilespmem:s23+$0xC400] =	vst.msk vm13, v3;
	v3 =	vshra.s32 v34, $0x1F;
	v46 =	vshra.s32 v13, $0x1F;
	s24 =	spop (v2sf);
	(v2sf) =	vpush v56, $0xF  }
0x1ab: {  	v3 =	vor.u32 $0x80000000, v3;
	v45 =	vshra.s32 v14, $0x1F;
	v47 =	vshra.s32 v25, $0x1F;
	s25 =	sadd.s32 $0x0, s24;
	s26 =	spop (v2sf)  }
0x1ac: {  	v57 =	vshra.s32 v28, $0x1F;
	v58 =	vor.u32 $0x80000000, v63;
	v60 =	vor.u32 $0x80000000, v47;
	[tilespmem:s25+$0xC400] =	vst.msk vm12, v27;
	s19 =	sadd.s32 s25, s26;
	s28 =	spop (v2sf)  }
0x1ad: {  	v37 =	vor.u32 $0x80000000, v45;
	v48 =	vshra.s32 v36, $0x1F;
	v59 =	vor.u32 $0x80000000, v44;
	[tilespmem:s19+$0xC400] =	vst.msk vm11, v26;
	s19 =	sadd.s32 s19, s28;
	s29 =	spop (v2sf)  }
0x1ae: {  	v32 =	vor.u32 $0x80000000, v57;
	v25 =	vxor.u32 v25, v60;
	v51 =	vshra.s32 v40, $0x1F;
	[tilespmem:s19+$0xC400] =	vst.msk vm10, v23;
	s19 =	sadd.s32 s19, s29;
	s30 =	spop (v2sf)  }
0x1af: {  	v52 =	vshra.s32 v38, $0x1F;
	v61 =	vor.u32 $0x80000000, v50;
	v48 =	vor.u32 $0x80000000, v48;
	[tilespmem:s19+$0xC400] =	vst.msk vm9, v22;
	s19 =	sadd.s32 s19, s30;
	s31 =	spop (v2sf)  }
0x1b0: {  	v62 =	vor.u32 $0x80000000, v51;
	v63 =	vor.u32 $0x80000000, v52;
	v26 =	vor.u32 $0x80000000, v42;
	[tilespmem:s19+$0xC400] =	vst.msk vm8, v18;
	s19 =	sadd.s32 s19, s31;
	s21 =	spop (v2sf)  }
0x1b1: {  	v23 =	vor.u32 $0x80000000, v43;
	v22 =	vor.u32 $0x80000000, v49;
	v18 =	vxor.u32 v19, v58;
	[tilespmem:s19+$0xC400] =	vst.msk vm6, v17;
	s19 =	sadd.s32 s19, s21;
	s22 =	spop (v2sf)  }
0x1b2: {  	v19 =	vxor.u32 v38, v63;
	v17 =	vxor.u32 v11, v39;
	v11 =	vxor.u32 v30, v59;
	[tilespmem:s19+$0xC400] =	vst.msk vm7, v15;
	s19 =	sadd.s32 s19, s22;
	s23 =	spop (v2sf)  }
0x1b3: {  	vm10 =	vge.u32 v19, v6;
	v15 =	vxor.u32 v29, v26;
	v26 =	vxor.u32 v40, v62;
	[tilespmem:s19+$0xC400] =	vst.msk vm1, v16;
	s19 =	sadd.s32 s19, s23;
	s24 =	spop (v2sf)  }
0x1b4: {  	v16 =	vxor.u32 v24, v41;
	vm8 =	vge.u32 v26, v6;
	v24 =	vsel vm10, $0x1, v0;
	[tilespmem:s19+$0xC400] =	vst.msk vm3, v12;
	s19 =	sadd.s32 s19, s24;
	s25 =	spop (v2sf)  }
0x1b5: {  	v12 =	vxor.u32 v31, v23;
	v23 =	vsel vm8, $0x1, v0;
	[tilespmem:s19+$0xC400] =	vst.msk vm4, v20;
	s19 =	sadd.s32 s19, s25;
	s26 =	spop (v2sf);
	v20 =	vxor.u32 v36, v48  }
0x1b6: {  	(xrf0) =	vadd.scan.msk.s32 $0xffff, v23;
	[tilespmem:s19+$0xC400] =	vst.msk vm5, v21;
	s21 =	sadd.s32 s19, s26;
	s28 =	spop (v2sf);
	vm3 =	vge.u32 v20, v6;
	v21 =	vxor.u32 v35, v22  }
0x1b7: {  	v22 =	vxor.u32 v33, v61;
	(xrf0) =	vadd.scan.msk.s32 $0xffff, v24;
	s23 =	sadd.s32 s21, s28;
	s29 =	spop (v2sf);
	v29 =	vsel vm3, $0x1, v0;
	vm4 =	vge.u32 v21, v6  }
0x1b8: {  	v23 =	vxor.u32 v34, v3;
	vm5 =	vge.u32 v22, v6;
	s24 =	sadd.s32 s23, s29;
	s30 =	spop (v2sf);
	v30 =	vsel vm4, $0x1, v0;
	(xrf0) =	vadd.scan.msk.s32 $0xffff, v29  }
0x1b9: {  	vm6 =	vge.u32 v23, v6;
	v24 =	vxor.u32 v28, v32;
	v3 =	vsel vm5, $0x1, v0;
	s25 =	sadd.s32 s24, s30;
	s31 =	spop (v2sf);
	(xrf0) =	vadd.scan.msk.s32 $0xffff, v30  }
0x1ba: {  	s20 =	simm.s32 $0x280;
	v27 =	vor.u32 $0x80000000, v46;
	s19 =	simm.s32 $0x10;
	v31 =	vsel vm6, $0x1, v0;
	vm7 =	vge.u32 v24, v6;
	s22 =	sadd.s32 s25, s31;
	(xrf0) =	vadd.scan.msk.s32 $0xffff, v3  }
.LBB2_14:
0x1bb: {  	v3 =	vsel vm7, $0x1, v0;
	vm0 =	vge.u32 v25, v6  }
0x1bc: {  	v28 =	vimm.s32 $0x0;
	v30 =	vxor.u32 v14, v37;
	vm2 =	vmmov vm15  }
0x1bd: {  	v29 =	vld [tilespmem:s20+$0x70];
	(xrf0) =	vadd.scan.msk.s32 $0xffff, v31;
	v31 =	vxor.u32 v13, v27;
	vm13 =	vge.u32 v12, v6;
	vm12 =	vge.u32 v11, v6;
	v13, _, _ =	vpop (xrf0)  }
0x1be: {  	vm1 =	vmmov vm14;
	vm14 =	vge.u32 v15, v6;
	[tilespmem:s25+$0xC400] =	vst.msk vm2, v10;
	v10 =	vld [tilespmem:$0x1FFF0];
	(v2sf) =	vpush v13, $0xF;
	v13, _, _ =	vpop (xrf0)  }
0x1bf: {  	vm9 =	vge.u32 v18, v6;
	vm15 =	vge.u32 v17, v6;
	(v2sf) =	vpush v13, $0xF  }
0x1c0: {  	v28 =	vsel vm0, $0xFFFFFFFF, v28;
	v14 =	vsel vm0, $0x1, v0;
	vm0 =	vge.u32 v30, v6  }
0x1c1: {  	(xrf0) =	vadd.scan.msk.s32 $0xffff, v3;
	vm11 =	vge.u32 v31, v6;
	v33 =	vsel vm14, $0x1, v0;
	[tilespmem:$0x1FFC0] =	vst v28  }
0x1c2: {  	v35 =	vld [tilespmem:s20+$0x50];
	v28 =	vimm.s32 $0x0;
	v3 =	vsel vm0, $0x1, v0;
	(xrf0) =	vadd.scan.msk.s32 $0xffff, v14;
	v14 =	vsel vm11, $0x1, v0  }
0x1c3: {  	v36 =	vld [tilespmem:s20+$0x20];
	v28 =	vsel vm0, $0xFFFFFFFF, v28;
	v13, _, _ =	vpop (xrf0);
	(xrf0) =	vadd.scan.msk.s32 $0xffff, v3;
	v3 =	vsel vm13, $0x1, v0;
	vm2 =	vnez.u8 v10  }
0x1c4: {  	(v2sf) =	vpush v13, $0xF;
	v13, _, _ =	vpop (xrf0);
	(xrf0) =	vadd.scan.msk.s32 $0xffff, v14;
	[tilespmem:s23+$0xC400] =	vst.msk vm2, v7;
	v7 =	vmov v15;
	v15 =	vld [tilespmem:$0x1FFE0]  }
0x1c5: {  	v32 =	vld [tilespmem:s20+$0x60];
	vm0 =	vge.u32 v16, v6;
	v14 =	vsel vm12, $0x1, v0;
	(v2sf) =	vpush v13, $0xF;
	v27, _, _ =	vpop (xrf0);
	(xrf0) =	vadd.scan.msk.s32 $0xffff, v3  }
0x1c6: {  	v38 =	vld [tilespmem:s20+$0x30];
	v40 =	vsel vm9, $0x1, v0;
	v3 =	vsel vm0, $0x1, v0;
	(v2sf) =	vpush v27, $0xF;
	v27, _, _ =	vpop (xrf0);
	(xrf0) =	vadd.scan.msk.s32 $0xffff, v14  }
0x1c7: {  	v59 =	vld [tilespmem:s20+$0xFFFFFFE0];
	v60 =	vsel vm15, $0x1, v0;
	[tilespmem:s24+$0xC400] =	vst.msk vm1, v9;
	(v2sf) =	vpush v27, $0xF;
	v27, _, _ =	vpop (xrf0);
	(xrf0) =	vadd.scan.msk.s32 $0xffff, v3  }
0x1c8: {  	v41 =	vld [tilespmem:s20+$0xFFFFFFB0];
	v9 =	vmov v18;
	v18 =	vshra.s32 v35, $0x1F;
	(v2sf) =	vpush v27, $0xF;
	v27, _, _ =	vpop (xrf0);
	(xrf0) =	vadd.scan.msk.s32 $0xffff, v33  }
0x1c9: {  	v42 =	vld [tilespmem:s20+$0xFFFFFFA0];
	v62 =	vshra.s32 v36, $0x1F;
	(v2sf) =	vpush v27, $0xF;
	v27, _, _ =	vpop (xrf0);
	(xrf0) =	vadd.scan.msk.s32 $0xffff, v40;
	vm2 =	vnez.u8 v15  }
0x1ca: {  	v34 =	vld [tilespmem:s20+$0x40];
	(v2sf) =	vpush v27, $0xF;
	v3, _, _ =	vpop (xrf0);
	v15 =	vimm.s32 $0x0;
	[tilespmem:s21+$0xC400] =	vst.msk vm2, v8;
	vm2 =	vmmov vm0  }
0x1cb: {  	v61 =	vld [tilespmem:s20+$0xFFFFFFC0];
	v44 =	vshra.s32 v38, $0x1F;
	(xrf0) =	vadd.scan.msk.s32 $0xffff, v60;
	(v2sf) =	vpush v3, $0xF;
	v3, _, _ =	vpop (xrf0);
	v15 =	vsel vm2, $0xFFFFFFFF, v15  }
0x1cc: {  	v43 =	vld [tilespmem:s20+$0xFFFFFF90];
	(v2sf) =	vpush v3, $0xF;
	v3, _, _ =	vpop (xrf0);
	vm0 =	vmmov vm14;
	[tilespmem:$0x1FFE0] =	vst v15;
	v15 =	vimm.s32 $0x0  }
0x1cd: {  	[tilespmem:$0x1FFD0] =	vst v28;
	v28 =	vld [tilespmem:s20+$0xFFFFFFF0];
	v46 =	vshra.s32 v59, $0x1F;
	(v2sf) =	vpush v3, $0xF;
	v3, _, _ =	vpop (xrf0);
	v15 =	vsel vm0, $0xFFFFFFFF, v15;
	s23 =	spop (v2sf)  }
0x1ce: {  	v13 =	vld [tilespmem:s20+$0x10];
	v48 =	vshra.s32 v42, $0x1F;
	v49 =	vshra.s32 v41, $0x1F;
	(v2sf) =	vpush v3, $0xF;
	v3, _, _ =	vpop (xrf0);
	[tilespmem:$0x1FFF0] =	vst v15;
	s21 =	sadd.s32 s22, s23;
	s24 =	spop (v2sf)  }
0x1cf: {  	v14 =	vld [tilespmem:s20+$0x0];
	v10 =	vmovc v17;
	v17 =	vshra.s32 v34, $0x1F;
	(v2sf) =	vpush v3, $0xF;
	v15 =	vshra.s32 v32, $0x1F;
	[tilespmem:s21+$0xC400] =	vst.msk vm10, v19;
	s21 =	sadd.s32 s21, s24  }
0x1d0: {  	v3, _, _ =	vpop (xrf0);
	[tilespmem:s21+$0xC400] =	vst.msk vm3, v20;
	v20 =	vor.u32 $0x80000000, v17;
	v17 =	vor.u32 $0x80000000, v18;
	v18 =	vor.u32 $0x80000000, v15;
	v15 =	vld [tilespmem:$0x1FFC0]  }
0x1d1: {  	v39 =	vld [tilespmem:s20+$0xFFFFFFD0];
	[tilespmem:s22+$0xC400] =	vst.msk vm8, v26;
	v50 =	vshra.s32 v61, $0x1F;
	v51 =	vshra.s32 v43, $0x1F;
	(v2sf) =	vpush v3, $0xF;
	v3, _, _ =	vpop (xrf0)  }
0x1d2: {  	v26 =	vld [tilespmem:s20+$0xFFFFFF80];
	v44 =	vor.u32 $0x80000000, v44;
	v46 =	vor.u32 $0x80000000, v46;
	(v2sf) =	vpush v3, $0xF  }
0x1d3: {  	v63 =	vor.u32 $0x80000000, v48;
	v47 =	vshra.s32 v28, $0x1F;
	v8 =	vmovc v16;
	v16 =	vshra.s32 v29, $0x1F  }
0x1d4: {  	v27 =	vshra.s32 v13, $0x1F;
	v45 =	vshra.s32 v14, $0x1F;
	v16 =	vor.u32 $0x80000000, v16;
	s25 =	spop (v2sf)  }
0x1d5: {  	s21 =	sadd.s32 s21, s25;
	s26 =	spop (v2sf);
	vm0 =	vnez.u8 v15;
	v15 =	vxor.u32 v35, v17;
	v17 =	vxor.u32 v29, v16;
	v16 =	vld [tilespmem:$0x1FFD0]  }
0x1d6: {  	v47 =	vor.u32 $0x80000000, v47;
	v27 =	vor.u32 $0x80000000, v27;
	v37 =	vor.u32 $0x80000000, v45;
	[tilespmem:s21+$0xC400] =	vst.msk vm4, v21;
	s21 =	sadd.s32 s21, s26;
	s28 =	spop (v2sf)  }
0x1d7: {  	vm14 =	vmmov vm9;
	v3 =	vshra.s32 v39, $0x1F;
	v19 =	vshra.s32 v26, $0x1F;
	[tilespmem:s21+$0xC400] =	vst.msk vm5, v22;
	s21 =	sadd.s32 s21, s28;
	s29 =	spop (v2sf)  }
0x1d8: {  	v3 =	vor.u32 $0x80000000, v3;
	v19 =	vor.u32 $0x80000000, v19;
	v21 =	vor.u32 $0x80000000, v62;
	[tilespmem:s21+$0xC400] =	vst.msk vm6, v23;
	s21 =	sadd.s32 s21, s29;
	s30 =	spop (v2sf)  }
0x1d9: {  	v18 =	vxor.u32 v32, v18;
	v26 =	vxor.u32 v26, v19;
	v22 =	vor.u32 $0x80000000, v49;
	[tilespmem:s21+$0xC400] =	vst.msk vm7, v24;
	s21 =	sadd.s32 s21, s30;
	s31 =	spop (v2sf)  }
0x1da: {  	vm8 =	vge.u32 v26, v6;
	v24 =	vor.u32 $0x80000000, v51;
	s23 =	spop (v2sf);
	[tilespmem:s21+$0xC400] =	vst.msk vm0, v25;
	s21 =	sadd.s32 s21, s31;
	vm0 =	vnez.u8 v16  }
0x1db: {  	v23 =	vor.u32 $0x80000000, v50;
	v19 =	vxor.u32 v43, v24;
	v24 =	vsel vm8, $0x1, v0;
	s24 =	spop (v2sf);
	[tilespmem:s21+$0xC400] =	vst.msk vm0, v30;
	s21 =	sadd.s32 s21, s23  }
0x1dc: {  	s19 =	sadd.s32 $0x10, s19;
	v25 =	vxor.u32 v38, v44;
	s25 =	spop (v2sf);
	v16 =	vxor.u32 v34, v20;
	v20 =	vxor.u32 v42, v63;
	[tilespmem:s21+$0xC400] =	vst.msk vm11, v31;
	s21 =	sadd.s32 s21, s24  }
0x1dd: {  	p0 =	slt.u32 s19, $0xC30;
	vm10 =	vge.u32 v19, v6;
	(xrf0) =	vadd.scan.msk.s32 $0xffff, v24;
	s26 =	spop (v2sf);
	vm3 =	vge.u32 v20, v6;
	[tilespmem:s21+$0xC400] =	vst.msk vm13, v12;
	s21 =	sadd.s32 s21, s25  }
.Ltmp10:
0x1de: {  	s28 =	spop (v2sf);
	v12 =	vxor.u32 v36, v21;
	v21 =	vxor.u32 v41, v22;
	[tilespmem:s21+$0xC400] =	vst.msk vm12, v11;
	s21 =	sadd.s32 s21, s26;
	v11 =	vmovc v25;
	v25 =	vsel vm10, $0x1, v0;
	(pc) =	sbr.rel @p0 .LBB2_14-.Ltmp10, $4  }
0x1df: {  	s29 =	spop (v2sf);
	v24 =	vsel vm3, $0x1, v0;
	v22 =	vxor.u32 v61, v23;
	vm4 =	vge.u32 v21, v6;
	s23 =	sadd.s32 s21, s28;
	(xrf0) =	vadd.scan.msk.s32 $0xffff, v25  }
0x1e0: {  	s30 =	spop (v2sf);
	v23 =	vxor.u32 v39, v3;
	vm5 =	vge.u32 v22, v6;
	v25 =	vsel vm4, $0x1, v0;
	s24 =	sadd.s32 s23, s29;
	(xrf0) =	vadd.scan.msk.s32 $0xffff, v24  }
0x1e1: {  	s31 =	spop (v2sf);
	vm6 =	vge.u32 v23, v6;
	v3 =	vsel vm5, $0x1, v0;
	v24 =	vxor.u32 v59, v46;
	s25 =	sadd.s32 s24, s30;
	(xrf0) =	vadd.scan.msk.s32 $0xffff, v25  }
0x1e2: {  	s20 =	sadd.s32 $0x100, s20;
	v31 =	vsel vm6, $0x1, v0;
	vm7 =	vge.u32 v24, v6;
	v25 =	vxor.u32 v28, v47;
	s22 =	sadd.s32 s25, s31;
	(xrf0) =	vadd.scan.msk.s32 $0xffff, v3  }
0x1e3: {  	v3 =	vsel vm7, $0x1, v0;
	vm0 =	vge.u32 v25, v6;
	v14 =	vxor.u32 v14, v37  }
0x1e4: {  	v29 =	vimm.s32 $0x0;
	v13 =	vxor.u32 v13, v27;
	v52 =	vimm.s32 $0x0  }
0x1e5: {  	(xrf0) =	vadd.scan.msk.s32 $0xffff, v31;
	vm12 =	vge.u32 v12, v6;
	vm13 =	vge.u32 v11, v6;
	vm1 =	vge.u32 v18, v6  }
0x1e6: {  	v51, _, _ =	vpop (xrf0);
	v50 =	vsel vm0, $0x1, v0;
	vm9 =	vge.u32 v14, v6;
	(xrf0) =	vadd.scan.msk.s32 $0xffff, v3;
	vm11 =	vge.u32 v13, v6  }
0x1e7: {  	(v2sf) =	vpush v51, $0xF;
	v57 =	vsel vm13, $0x1, v0;
	v3 =	vsel vm9, $0x1, v0;
	v53, _, _ =	vpop (xrf0);
	(xrf0) =	vadd.scan.msk.s32 $0xffff, v50  }
0x1e8: {  	v29 =	vsel vm9, $0xFFFFFFFF, v29;
	v54 =	vsel vm11, $0x1, v0;
	(v2sf) =	vpush v53, $0xF;
	v55, _, _ =	vpop (xrf0);
	(xrf0) =	vadd.scan.msk.s32 $0xffff, v3  }
0x1e9: {  	[tilespmem:$0x1FFA0] =	vst v29;
	v3 =	vsel vm12, $0x1, v0;
	(v2sf) =	vpush v55, $0xF;
	v56, _, _ =	vpop (xrf0);
	(xrf0) =	vadd.scan.msk.s32 $0xffff, v54  }
0x1ea: {  	v29 =	vsel vm11, $0xFFFFFFFF, v52;
	vm11 =	vge.u32 v16, v6;
	(v2sf) =	vpush v56, $0xF;
	v58, _, _ =	vpop (xrf0);
	(xrf0) =	vadd.scan.msk.s32 $0xffff, v3  }
0x1eb: {  	vm9 =	vge.u32 v15, v6;
	v3 =	vsel vm11, $0x1, v0;
	(v2sf) =	vpush v58, $0xF;
	v59, _, _ =	vpop (xrf0);
	(xrf0) =	vadd.scan.msk.s32 $0xffff, v57  }
0x1ec: {  	v60 =	vsel vm9, $0x1, v0;
	(v2sf) =	vpush v59, $0xF;
	v61, _, _ =	vpop (xrf0);
	(xrf0) =	vadd.scan.msk.s32 $0xffff, v3;
	v3 =	vsel vm1, $0x1, v0  }
0x1ed: {  	(v2sf) =	vpush v61, $0xF;
	v62, _, _ =	vpop (xrf0);
	(xrf0) =	vadd.scan.msk.s32 $0xffff, v60  }
0x1ee: {  	(v2sf) =	vpush v62, $0xF;
	v63, _, _ =	vpop (xrf0);
	(xrf0) =	vadd.scan.msk.s32 $0xffff, v3  }
0x1ef: {  	v28 =	vimm.s32 $0x0;
	(v2sf) =	vpush v63, $0xF;
	v3, _, _ =	vpop (xrf0)  }
0x1f0: {  	v28 =	vsel vm0, $0xFFFFFFFF, v28;
	(v2sf) =	vpush v3, $0xF;
	v3, _, _ =	vpop (xrf0)  }
0x1f1: {  	[tilespmem:$0x1FF90] =	vst v28;
	(v2sf) =	vpush v3, $0xF;
	v3, _, _ =	vpop (xrf0)  }
0x1f2: {  	vm0 =	vmmov vm15;
	[tilespmem:$0x1FFB0] =	vst v29;
	(v2sf) =	vpush v3, $0xF;
	v3, _, _ =	vpop (xrf0)  }
0x1f3: {  	[tilespmem:s25+$0xC400] =	vst.msk vm0, v10;
	(v2sf) =	vpush v3, $0xF;
	v3, _, _ =	vpop (xrf0)  }
0x1f4: {  	[tilespmem:s24+$0xC400] =	vst.msk vm14, v9;
	(v2sf) =	vpush v3, $0xF;
	v3, _, _ =	vpop (xrf0)  }
0x1f5: {  	(v2sf) =	vpush v3, $0xF;
	v3 =	vld [tilespmem:$0x1FFF0];
	_ =	sdelay $0x4  }
0x1f6: {  	vm2 =	vge.u32 v17, v6;
	vm0 =	vnez.u8 v3  }
0x1f7: {  	v6 =	vsel vm2, $0x1, v0;
	s19 =	spop (v2sf);
	[tilespmem:s23+$0xC400] =	vst.msk vm0, v7  }
0x1f8: {  	(xrf0) =	vadd.scan.msk.s32 $0xffff, v6;
	s19 =	sadd.s32 s22, s19;
	s20 =	spop (v2sf);
	v6 =	vld [tilespmem:$0x1FFE0];
	[tilespmem:s22+$0xC400] =	vst.msk vm8, v26  }
0x1f9: {  	s20 =	sadd.s32 s19, s20;
	s29 =	spop (v2sf);
	[tilespmem:s19+$0xC400] =	vst.msk vm10, v19  }
0x1fa: {  	s30 =	sadd.s32 s20, s29;
	s31 =	spop (v2sf);
	[tilespmem:s20+$0xC400] =	vst.msk vm3, v20  }
0x1fb: {  	s24 =	spop (v2sf);
	s22 =	sadd.s32 s30, s31;
	[tilespmem:s30+$0xC400] =	vst.msk vm4, v21  }
0x1fc: {  	s26 =	spop (v2sf);
	s25 =	sadd.s32 s22, s24;
	[tilespmem:s22+$0xC400] =	vst.msk vm5, v22  }
0x1fd: {  	s28 =	sadd.s32 s25, s26;
	[tilespmem:s25+$0xC400] =	vst.msk vm6, v23  }
0x1fe: {  	[tilespmem:s28+$0xC400] =	vst.msk vm7, v24;
	vm0 =	vnez.u8 v6  }
0x1ff: {  	v3, _, _ =	vpop (xrf0);
	[tilespmem:s21+$0xC400] =	vst.msk vm0, v8  }
0x200: {  	(v2sf) =	vpush v3, $0xF;
	v3 =	vld [tilespmem:$0x1FF90];
	_ =	sdelay $0x3  }
0x201: {  	s29 =	spop (v2sf)  }
0x202: {  	s30 =	sadd.s32 s28, s29;
	vm4 =	vnez.u8 v3  }
0x203: {  	[tilespmem:s30+$0xC400] =	vst.msk vm4, v25  }
0x204: {  	v3 =	vld [tilespmem:$0x1FFA0];
	_ =	sdelay $0x3  }
0x205: {  	s31 =	spop (v2sf)  }
0x206: {  	s22 =	sadd.s32 s30, s31;
	vm5 =	vnez.u8 v3  }
0x207: {  	[tilespmem:s22+$0xC400] =	vst.msk vm5, v14  }
0x208: {  	s24 =	spop (v2sf);
	v3 =	vld [tilespmem:$0x1FFB0]  }
0x209: {  	s26 =	spop (v2sf);
	s25 =	sadd.s32 s22, s24  }
0x20a: {  	s29 =	spop (v2sf);
	s28 =	sadd.s32 s25, s26  }
0x20b: {  	s31 =	spop (v2sf);
	s30 =	sadd.s32 s28, s29;
	[tilespmem:s28+$0xC400] =	vst.msk vm12, v12  }
0x20c: {  	vm11 =	vmmov vm11;
	s22 =	sadd.s32 s30, s31;
	[tilespmem:s30+$0xC400] =	vst.msk vm13, v11  }
0x20d: {  	s24 =	spop (v2sf);
	[tilespmem:s22+$0xC400] =	vst.msk vm11, v16;
	vm6 =	vnez.u8 v3  }
0x20e: {  	vm10 =	vmmov vm9;
	s26 =	spop (v2sf);
	[tilespmem:s25+$0xC400] =	vst.msk vm6, v13;
	s25 =	sadd.s32 s22, s24  }
0x20f: {  	vm8 =	vmmov vm1;
	s29 =	spop (v2sf);
	s28 =	sadd.s32 s25, s26;
	[tilespmem:s25+$0xC400] =	vst.msk vm10, v15  }
0x210: {  	vm7 =	vmmov vm2;
	s31 =	spop (v2sf);
	s30 =	sadd.s32 s28, s29;
	[tilespmem:s28+$0xC400] =	vst.msk vm8, v18  }
0x211: {  	vm13 =	vcmask $0x704;
	[tilespmem:s30+$0xC400] =	vst.msk vm7, v17;
	s19 =	sadd.s32 s30, s31  }
.LBB2_16:
0x212: {  	p0 =	seq.s32 s17, $0x17  }
0x213: {  	s20 =	sadd.s32 @!p0 s17, s5  }
0x214: {  	s21 =	sshrl.u32 @!p0 s20, $0x3  }
0x215: {  	s20 =	sshll.u32 @!p0 s20, $0x7;
	s21 =	smul.u32 @!p0 $0x62000, s21  }
0x216: {  	s28 =	sadd.s32 $0xF, s19;
	s22 =	simm.s32 @!p0 $0x400;
	s20 =	sand.u32 @!p0 $0x380, s20  }
0x217: {  	s23 =	simm.s32 @!p0 $0x0;
	s29 =	sand.u32 $0xF, s28;
	s20 =	sor.u32 @!p0 s20, s21  }
0x218: {  	s30 =	sshra.s32 s28, $0x1F;
	p6 =	slt.s32 s28, $0x1;
	s20 =	sshrl.u32 @!p0 s20, $0x3  }
0x219: {  	p1 =	sne.s32 s29, $0x0;
	s21 =	simm.s32 @!p0 $0x80;
	s20 =	sadd.s32 @!p0 s3, s20  }
0x21a: {  	[tilespmem:s23], [sflag:$0x1] =	stream.strided.gather @!p0 [hbm4b:s20+s21], $0xC400, s22, s21, $0x38;
	[tilespmem:$0x19B00] =	vst v63  }
0x21b: {  	s31 =	sshrl.u32 s30, $0x1C;
	p0 =	por !p6, !p1  }
0x21c: {  	s20 =	sadd.s32 s31, s28;
	s21 =	simm.s32 $0x1;
	p0 =	por !p0, !p0  }
0x21d: {  	v6 =	vimm.s32 $0x0;
	s20 =	sshra.s32 s20, $0x4;
	s21 =	simm.s32 @!p0 $0x0  }
0x21e: {  	[tilespmem:s19+$0xC400] =	vst v6;
	s20 =	ssub.s32 s20, s21  }
0x21f: {  	[tilespmem:s19+$0xC410] =	vst v6;
	s20 =	sadd.s32 $0x7, s20  }
0x220: {  	[tilespmem:s19+$0xC420] =	vst v6;
	p0 =	slt.s32 s20, $0x8  }
.Ltmp11:
0x221: {  	[tilespmem:s19+$0xC430] =	vst v6;
	(pc) =	sbr.rel @p0 .LBB2_20-.Ltmp11, $4  }
0x222: {  	[tilespmem:s19+$0xC440] =	vst v6  }
0x223: {  	[tilespmem:s19+$0xC450] =	vst v6  }
0x224: {  	[tilespmem:s19+$0xC460] =	vst v6  }
0x225: {  	vm6 =	vcmask $0xB08;
	v18 =	vimm.s32 $0x80000000;
	[tilespmem:s19+$0xC470] =	vst v6;
	s20 =	sand.u32 $0xFFFFFFF8, s20  }
0x226: {  	s21 =	simm.s32 $0xC440  }
0x227: {  	v3 =	vld [tilespmem:s21+$0xFFFFFFC0]  }
0x228: {  	v9 =	vld [tilespmem:s21+$0xFFFFFFD0]  }
0x229: {  	p1 =	sgt.s32 s20, $0x8;
	v14 =	vld [tilespmem:s21+$0xFFFFFFE0]  }
.Ltmp12:
0x22a: {  	s19 =	sadd.s32 $0x1000000, s18;
	v10 =	vld [tilespmem:s21+$0xFFFFFFF0];
	(pc) =	sbr.rel @!p1 .LBB2_19-.Ltmp12, $4  }
0x22b: {  	v6 =	vmov s19;
	v7 =	vld [tilespmem:s21+$0x0]  }
0x22c: {  	v8 =	vld [tilespmem:s21+$0x10];
	vm0 =	vge.u32 v3, v6  }
0x22d: {  	v11 =	vimm.s32 $0x0;
	v3 =	vsel vm0, $0x1, v0;
	vm0 =	vge.u32 v9, v6;
	v9 =	vld [tilespmem:s21+$0x20]  }
0x22e: {  	s19 =	simm.s32 $0x8;
	v12 =	vadd.s32 v3, v11;
	v13 =	vsel vm0, $0x1, v0;
	vm0 =	vge.u32 v14, v6;
	v11 =	vld [tilespmem:s21+$0x30];
	s21 =	simm.s32 $0xC4C0  }
.LBB2_18:
0x22f: {  	v3 =	vld [tilespmem:s21+$0xFFFFFFC0];
	s19 =	sadd.s32 $0x8, s19;
	v12 =	vadd.s32 v13, v12;
	v13 =	vsel vm0, $0x1, v0;
	vm0 =	vge.u32 v10, v6  }
0x230: {  	v14 =	vld [tilespmem:s21+$0xFFFFFFD0];
	p1 =	slt.s32 s19, s20;
	v10 =	vadd.s32 v13, v12;
	v12 =	vsel vm0, $0x1, v0;
	vm0 =	vge.u32 v7, v6  }
0x231: {  	v15 =	vld [tilespmem:s21+$0xFFFFFFE0];
	v7 =	vadd.s32 v12, v10;
	v12 =	vsel vm0, $0x1, v0;
	vm0 =	vge.u32 v8, v6  }
.Ltmp13:
0x232: {  	v10 =	vld [tilespmem:s21+$0xFFFFFFF0];
	v8 =	vadd.s32 v12, v7;
	v12 =	vsel vm0, $0x1, v0;
	vm0 =	vge.u32 v9, v6;
	(pc) =	sbr.rel @p1 .LBB2_18-.Ltmp13, $4  }
0x233: {  	v7 =	vld [tilespmem:s21+$0x0];
	v9 =	vadd.s32 v12, v8;
	v12 =	vsel vm0, $0x1, v0;
	vm0 =	vge.u32 v11, v6  }
0x234: {  	vm1 =	vge.u32 v3, v6;
	v8 =	vld [tilespmem:s21+$0x10];
	v3 =	vadd.s32 v12, v9;
	v11 =	vsel vm0, $0x1, v0  }
0x235: {  	v12 =	vsel vm1, $0x1, v0;
	vm0 =	vge.u32 v14, v6;
	v9 =	vld [tilespmem:s21+$0x20];
	v3 =	vadd.s32 v11, v3  }
0x236: {  	v12 =	vadd.s32 v12, v3;
	v13 =	vsel vm0, $0x1, v0;
	vm0 =	vge.u32 v15, v6;
	v11 =	vld [tilespmem:s21+$0x30];
	s21 =	sadd.s32 $0x80, s21  }
.LBB2_19:
0x237: {  	v3 =	vadd.s32 v13, v12;
	v63 =	vsel vm0, $0x1, v0;
	vm10 =	vge.u32 v10, v6  }
0x238: {  	v3 =	vadd.s32 v63, v3;
	v10 =	vsel vm10, $0x1, v0;
	vm11 =	vge.u32 v7, v6  }
0x239: {  	v3 =	vadd.s32 v10, v3;
	v7 =	vsel vm11, $0x1, v0;
	vm9 =	vge.u32 v8, v6  }
0x23a: {  	v3 =	vadd.s32 v7, v3;
	v7 =	vsel vm9, $0x1, v0;
	vm10 =	vge.u32 v9, v6  }
0x23b: {  	v3 =	vadd.s32 v7, v3;
	v7 =	vsel vm10, $0x1, v0;
	vm11 =	vge.u32 v11, v6  }
0x23c: {  	v3 =	vadd.s32 v7, v3;
	v6 =	vsel vm11, $0x1, v0  }
0x23d: {  	v6 =	vadd.s32 v6, v3  }
.LBB2_20:
0x23e: {  	(xrf0) =	vadd.scan.msk.s32 $0xffff, v6;
	_ =	sdelay $0x5  }
0x23f: {  	v3, _, _ =	vpop (xrf0)  }
0x240: {  	(v2sf) =	vpush v3, $0xF;
	_ =	sdelay $0xc  }
.Ltmp14:
0x241: {  	_ = 	snop;
	(pc) =	sbr.rel .LBB2_21-.Ltmp14, $4  }
0x242: {  	_ = 	snop  }
0x243: {  	s19 =	spop (v2sf)  }
0x244: {  	s21 =	simm.s32 $0x8;
	p1 =	slt.s32 s19, $0x2F0  }
0x245: {  	s19 =	sadd.s32 $0x1, s17;
	s21 =	simm.s32 @!p1 $0x0;
	s18 =	simm.s32 @!p1 $0x0  }
.LBB2_24:
0x246: {  	v3 =	vadd.s32 v13, v12;
	v63 =	vsel vm0, $0x1, v0;
	vm10 =	vge.u32 v10, v6  }
0x247: {  	vm11 =	vge.u32 v7, v6;
	v3 =	vadd.s32 v63, v3;
	v10 =	vsel vm10, $0x1, v0  }
0x248: {  	vm9 =	vge.u32 v8, v6;
	v7 =	vsel vm11, $0x1, v0;
	v3 =	vadd.s32 v10, v3  }
0x249: {  	vm10 =	vge.u32 v9, v6;
	v3 =	vadd.s32 v7, v3;
	v7 =	vsel vm9, $0x1, v0  }
0x24a: {  	vm11 =	vge.u32 v11, v6;
	v3 =	vadd.s32 v7, v3;
	v7 =	vsel vm10, $0x1, v0  }
0x24b: {  	v6 =	vsel vm11, $0x1, v0;
	v3 =	vadd.s32 v7, v3  }
0x24c: {  	v6 =	vadd.s32 v6, v3  }
.LBB2_25:
0x24d: {  	(xrf0) =	vadd.scan.msk.s32 $0xffff, v6;
	_ =	sdelay $0x5  }
0x24e: {  	v3, _, _ =	vpop (xrf0)  }
0x24f: {  	(v2sf) =	vpush v3, $0xF;
	_ =	sdelay $0xa  }
0x250: {  	s21 =	sadd.s32 $0x1, s21  }
0x251: {  	p2 =	seq.s32 s21, $0x20  }
.Ltmp15:
0x252: {  	_ = 	snop;
	(pc) =	sbr.rel @p2 .LBB2_26-.Ltmp15, $4  }
0x253: {  	_ = 	snop  }
0x254: {  	s23 =	spop (v2sf)  }
0x255: {  	p1 =	sgt.s32 s23, $0x2EF  }
0x256: {  	s18 =	smov.u32 @p1 s22  }
.LBB2_21:
.Ltmp16:
0x257: {  	(pc) =	sbr.rel @p0 .LBB2_25-.Ltmp16, $3  }
0x258: {  	_ =	sdelay $0x1  }
0x259: {  	s22 =	sshrl.u32 s12, s21  }
0x25a: {  	v6 =	vimm.s32 $0x0;
	s22 =	sor.u32 s22, s18  }
0x25b: {  	s24 =	simm.s32 $0xC440  }
0x25c: {  	v3 =	vld [tilespmem:s24+$0xFFFFFFC0]  }
0x25d: {  	v9 =	vld [tilespmem:s24+$0xFFFFFFD0]  }
0x25e: {  	p1 =	sgt.s32 s20, $0x8;
	v14 =	vld [tilespmem:s24+$0xFFFFFFE0]  }
.Ltmp17:
0x25f: {  	v10 =	vld [tilespmem:s24+$0xFFFFFFF0];
	(pc) =	sbr.rel @!p1 .LBB2_24-.Ltmp17, $4  }
0x260: {  	v6 =	vmov s22;
	v7 =	vld [tilespmem:s24+$0x0]  }
0x261: {  	v8 =	vld [tilespmem:s24+$0x10];
	vm0 =	vge.u32 v3, v6  }
0x262: {  	v11 =	vimm.s32 $0x0;
	v3 =	vsel vm0, $0x1, v0;
	vm0 =	vge.u32 v9, v6;
	v9 =	vld [tilespmem:s24+$0x20]  }
0x263: {  	s23 =	simm.s32 $0x8;
	v12 =	vadd.s32 v3, v11;
	v13 =	vsel vm0, $0x1, v0;
	vm0 =	vge.u32 v14, v6;
	v11 =	vld [tilespmem:s24+$0x30];
	s24 =	simm.s32 $0xC4C0  }
.LBB2_23:
0x264: {  	v3 =	vld [tilespmem:s24+$0xFFFFFFC0];
	s23 =	sadd.s32 $0x8, s23;
	v12 =	vadd.s32 v13, v12;
	v13 =	vsel vm0, $0x1, v0;
	vm0 =	vge.u32 v10, v6  }
0x265: {  	v14 =	vld [tilespmem:s24+$0xFFFFFFD0];
	p1 =	slt.s32 s23, s20;
	v10 =	vadd.s32 v13, v12;
	v12 =	vsel vm0, $0x1, v0;
	vm0 =	vge.u32 v7, v6  }
0x266: {  	v15 =	vld [tilespmem:s24+$0xFFFFFFE0];
	v7 =	vadd.s32 v12, v10;
	v12 =	vsel vm0, $0x1, v0;
	vm0 =	vge.u32 v8, v6  }
.Ltmp18:
0x267: {  	v10 =	vld [tilespmem:s24+$0xFFFFFFF0];
	v8 =	vadd.s32 v12, v7;
	v12 =	vsel vm0, $0x1, v0;
	vm0 =	vge.u32 v9, v6;
	(pc) =	sbr.rel @p1 .LBB2_23-.Ltmp18, $4  }
0x268: {  	v7 =	vld [tilespmem:s24+$0x0];
	v9 =	vadd.s32 v12, v8;
	v12 =	vsel vm0, $0x1, v0;
	vm0 =	vge.u32 v11, v6  }
0x269: {  	vm1 =	vge.u32 v3, v6;
	v8 =	vld [tilespmem:s24+$0x10];
	v3 =	vadd.s32 v12, v9;
	v11 =	vsel vm0, $0x1, v0  }
0x26a: {  	v12 =	vsel vm1, $0x1, v0;
	vm0 =	vge.u32 v14, v6;
	v9 =	vld [tilespmem:s24+$0x20];
	v3 =	vadd.s32 v11, v3  }
0x26b: {  	v12 =	vadd.s32 v12, v3;
	v13 =	vsel vm0, $0x1, v0;
	vm0 =	vge.u32 v15, v6;
	v11 =	vld [tilespmem:s24+$0x30];
	s24 =	sadd.s32 $0x80, s24  }
.Ltmp19:
0x26c: {  	_ = 	snop;
	(pc) =	sbr.rel .LBB2_24-.Ltmp19, $1  }
0x26d: {  	_ =	sdelay $0x3  }
.LBB2_26:
.Ltmp20:
0x26e: {  	(pc) =	sbr.rel @p0 .LBB2_27-.Ltmp20, $2  }
0x26f: {  	_ =	sdelay $0x2  }
0x270: {  	v6 =	vmov s18  }
0x271: {  	s21 =	simm.s32 $0xC420  }
0x272: {  	v7 =	vld [tilespmem:s21+$0x10]  }
0x273: {  	v9 =	vld [tilespmem:s21+$0x0]  }
0x274: {  	v3 =	vld [tilespmem:s21+$0xFFFFFFE0]  }
0x275: {  	v10 =	vld [tilespmem:s21+$0xFFFFFFF0];
	_ =	sdelay $0x1  }
0x276: {  	p0 =	sgt.s32 s20, $0x4  }
.Ltmp21:
0x277: {  	v11 =	vimm.f32 $0.0e+00;
	v8 =	vimm.s32 $0x0;
	(pc) =	sbr.rel @!p0 .LBB2_33-.Ltmp21, $4  }
0x278: {  	vm2 =	vgt.s32 v3, $0xFFFFFFFF;
	vm1 =	vgt.u32 v9, v6;
	vm0 =	vgt.u32 v7, v6  }
0x279: {  	vm4 =	vgt.u32 v10, v6;
	vm3 =	vgt.u32 v3, v6;
	v12 =	vsel vm2, $0xFFFFFFFF, v18  }
0x27a: {  	vm5 =	vgt.s32 v10, $0xFFFFFFFF;
	vm2 =	vgt.s32 v7, $0xFFFFFFFF;
	v3 =	vxor.u32 v3, v12  }
0x27b: {  	s22 =	simm.s32 $0xC460;
	s21 =	simm.s32 $0x4;
	v13 =	vsel vm5, $0xFFFFFFFF, v18;
	vm5 =	vgt.s32 v9, $0xFFFFFFFF;
	v12 =	vnsel vm3, $0x0, v3  }
.LBB2_32:
0x27c: {  	v3 =	vld [tilespmem:s22+$0x10];
	v11 =	vadd.f32 v12, v11;
	v10 =	vxor.u32 v10, v13;
	v12 =	vsel vm1, $0x1, v0  }
0x27d: {  	v14 =	vsel vm4, $0x1, v0;
	v15 =	vsel vm5, $0xFFFFFFFF, v18;
	v13 =	vld [tilespmem:s22+$0x0];
	v10 =	vnsel vm4, $0x0, v10  }
0x27e: {  	s21 =	sadd.s32 $0x4, s21;
	v17 =	vsel vm3, $0x1, v0;
	v9 =	vxor.u32 v9, v15;
	v16 =	vld [tilespmem:s22+$0xFFFFFFE0];
	v11 =	vadd.f32 v10, v11  }
0x27f: {  	p0 =	slt.s32 s21, s20;
	v8 =	vadd.s32 v17, v8;
	v15 =	vsel vm2, $0xFFFFFFFF, v18;
	v9 =	vnsel vm1, $0x0, v9;
	v10 =	vld [tilespmem:s22+$0xFFFFFFF0]  }
0x280: {  	v8 =	vadd.s32 v14, v8;
	v14 =	vxor.u32 v7, v15;
	v17 =	vadd.f32 v9, v11  }
0x281: {  	v8 =	vadd.s32 v12, v8;
	v12 =	vsel vm0, $0x1, v0;
	v11 =	vnsel vm0, $0x0, v14;
	v7 =	vmovc v3  }
.Ltmp22:
0x282: {  	v8 =	vadd.s32 v12, v8;
	v11 =	vadd.f32 v11, v17;
	v9 =	vmov v13;
	(pc) =	sbr.rel @p0 .LBB2_32-.Ltmp22, $4  }
0x283: {  	vm0 =	vgt.u32 v7, v6;
	vm2 =	vgt.s32 v16, $0xFFFFFFFF;
	vm1 =	vgt.u32 v9, v6  }
0x284: {  	v3 =	vsel vm2, $0xFFFFFFFF, v18;
	vm4 =	vgt.u32 v10, v6;
	vm2 =	vgt.s32 v7, $0xFFFFFFFF  }
0x285: {  	vm3 =	vgt.u32 v16, v6;
	vm5 =	vgt.s32 v10, $0xFFFFFFFF;
	v3 =	vxor.u32 v16, v3  }
0x286: {  	s22 =	sadd.s32 $0x40, s22;
	v13 =	vsel vm5, $0xFFFFFFFF, v18;
	vm5 =	vgt.s32 v9, $0xFFFFFFFF;
	v12 =	vnsel vm3, $0x0, v3  }
.LBB2_33:
0x287: {  	v3 =	vadd.f32 v12, v11;
	v10 =	vxor.u32 v10, v13  }
0x288: {  	v63 =	vsel vm5, $0xFFFFFFFF, v18;
	v10 =	vnsel vm4, $0x0, v10  }
0x289: {  	v62 =	vsel vm4, $0x1, v0;
	v9 =	vxor.u32 v9, v63;
	v3 =	vadd.f32 v10, v3  }
.Ltmp23:
0x28a: {  	v14 =	vsel vm3, $0x1, v0;
	v9 =	vnsel vm1, $0x0, v9;
	v10 =	vsel vm2, $0xFFFFFFFF, v18;
	(pc) =	sbr.rel .LBB2_28-.Ltmp23, $4  }
0x28b: {  	v8 =	vadd.s32 v14, v8;
	v7 =	vxor.u32 v7, v10;
	v3 =	vadd.f32 v9, v3  }
0x28c: {  	v11 =	vsel vm1, $0x1, v0;
	v8 =	vadd.s32 v62, v8;
	v7 =	vnsel vm0, $0x0, v7  }
0x28d: {  	v10 =	vsel vm0, $0x1, v0;
	v9 =	vadd.s32 v11, v8;
	v8 =	vadd.f32 v7, v3  }
0x28e: {  	v7 =	vadd.s32 v10, v9  }
.LBB2_30:
0x28f: {  	_ =	sfence.sel $0x180000  }
0x290: {  	[bflag:$0x0] =	sbarrier.arrive $0xFFFF  }
0x291: {  	p0 =	sne.s32 s0, $0x0;
	_ =	strace $0x90000047  }
0x292: {  	s0 =	sadd.s32 @!p0 $0x100000, s1;
	[bflag:$0x2] =	sbarrier.arrive $0xFFFF  }
0x293: {  	[sflag:s0] =	ssyncadd.tile.s32 @!p0 $0x1;
	_ =	shalt  }
.Lfunc_end2:
_tile_overlayer_lowered:
.L_overlay_start_2:
0x294: {  	(tag) =	ssettag $0x2  }
0x295: {  	s0 =	rddreg [dreg:$0x0];
	s2 =	stileid.u32  }
0x296: {  	s1 =	rddreg [dreg:$0x1];
	p0 =	sne.s32 s2, $0x0  }
0x297: {  	s3 =	rddreg [dreg:$0x2];
	[bflag:$0x3] =	sbarrier.arrive $0xFFFF;
	s2 =	simm.s32 @!p0 $0x1C02  }
0x298: {  	[timem:s3], [sflag:s2] =	dma.local @!p0 [hbm:s0], s1  }
0x299: {  	s0 =	simm.s32 @!p0 $0x2  }
0x29a: {  	_ =	swait.ge @!p0 [sflag:s0], s1  }
0x29b: {  	s1 =	ssub.s32 @!p0 $0x0, s1;
	[sflag:s0] =	ssyncset.done @!p0 $0x0  }
0x29c: {  	[sflag:s0] =	ssyncadd.s32 @!p0 s1  }
0x29d: {  	[bflag:$0x3] =	sbarrier.arrive $0xFFFF  }
0x29e: {  	_ =	shalt  }

</sc_bundles>
